<compile_context>
chip_gen: v7x
topology: tpu7x:2x2x1
jax: 0.10.2.dev20260603
libtpu: 0.0.44.dev20260713+nightly
codegen_flags: <defaults>
</compile_context>

<pallas_src>
import functools

import jax
import jax.numpy as jnp
from jax import lax
from jax.experimental import pallas as pl
from jax.experimental.pallas import tpu as pltpu
from jax.experimental.pallas import tpu_sc as plsc

VOCAB = 1000000
BATCH = 16384
DIM = 16

_INFO = plsc.get_sparse_core_info()
_NC = _INFO.num_cores
_NS = _INFO.num_subcores
_NW = _NC * _NS
_B_PER_W = BATCH // _NW
_DEPTH = 16


def _gather_body(idx_hbm, table_hbm, out_hbm, idx_v, blk_v, col_v, *sems):
    wid = lax.axis_index("s") * _NC + lax.axis_index("c")
    base = wid * _B_PER_W

    pltpu.sync_copy(idx_hbm.at[pl.ds(base, _B_PER_W)], idx_v)

    dims = lax.iota(jnp.int32, DIM)
    ngroups = _B_PER_W // _DEPTH

    def group(g, _):
        b0 = g * _DEPTH
        vec = idx_v[pl.ds(b0, _DEPTH)]
        blk = lax.shift_left(lax.shift_right_logical(vec, 7), 7)
        copies = [
            pltpu.async_copy(
                table_hbm.at[:, pl.ds(pl.multiple_of(blk[i], 128), 128)],
                blk_v.at[i], sems[i])
            for i in range(_DEPTH)
        ]
        lane = vec - blk
        for i in range(_DEPTH):
            copies[i].wait()
            vals = plsc.load_gather(
                blk_v, [jnp.full((DIM,), i, jnp.int32), dims,
                        jnp.full((DIM,), lane[i], jnp.int32)])
            plsc.store_scatter(
                col_v, [dims, jnp.full((DIM,), b0 + i, jnp.int32)], vals)
        return 0

    lax.fori_loop(0, ngroups, group, 0)

    pltpu.sync_copy(col_v, out_hbm.at[:, pl.ds(base, _B_PER_W)])


@jax.jit
def kernel(index, train_score):
    mesh = plsc.VectorSubcoreMesh(core_axis_name="c", subcore_axis_name="s")
    table_t = jnp.transpose(train_score)
    k = functools.partial(
        pl.kernel,
        mesh=mesh,
        out_type=jax.ShapeDtypeStruct((DIM, BATCH), jnp.float32),
        scratch_types=[
            pltpu.VMEM((_B_PER_W,), jnp.int32),
            pltpu.VMEM((_DEPTH, DIM, 128), jnp.float32),
            pltpu.VMEM((DIM, _B_PER_W), jnp.float32),
        ] + [pltpu.SemaphoreType.DMA] * _DEPTH,
        compiler_params=pltpu.CompilerParams(
            needs_layout_passes=False, use_tc_tiling_on_sc=True),
    )(_gather_body)
    return jnp.transpose(k(index, table_t))

# --- scband reference (transcript-rebuilt; emitter-appended) ---
"""Pipeline reference for scband-proximity-3607772529224 (READ-ONLY COPY).

The authoritative reference and input builder live on the scoring server;
editing this copy changes nothing except your own understanding.
"""

import jax, jax.numpy as jnp
import numpy as np

VOCAB = 1000000
BATCH = 16384
DIM = 16

def setup_inputs(seed: int = 0) -> dict:
    key = jax.random.key(seed)
    k1, k2 = jax.random.split(key)
    index = jax.random.randint(k1, (BATCH,), 0, VOCAB, dtype=jnp.int64 if jax.config.jax_enable_x64 else jnp.int32).astype(jnp.int32)
    # Pre-set score table (set via pre_setting in the original torch module).
    train_score = jax.random.normal(k2, (VOCAB, DIM), dtype=jnp.float32)
    return {"index": index, "train_score": train_score}

def reference(index, train_score):
    # Proximity.forward(index, mode='train'): plain row gather from the
    # pre-registered score table.
    return jnp.take(train_score, index, axis=0)

if __name__ == "__main__":
    import jax
    _d = setup_inputs()
    print(jax.jit(kernel)(*tuple(_d.values())))

</pallas_src>

<mosaic_0001>
#map = affine_map<(d0, d1) -> (0)>
#map1 = affine_map<(d0, d1) -> (0, 0)>
module attributes {stable_mosaic.version = 14 : i64} {
  func.func @_gather_body(%arg0: i32, %arg1: i32, %arg2: memref<16384xi32, #tpu.memory_space<hbm>>, %arg3: memref<16x1000000xf32, #tpu.memory_space<hbm>>, %arg4: memref<16x16384xf32, #tpu.memory_space<hbm>>, %arg5: memref<512xi32, #tpu.memory_space<vmem>>, %arg6: memref<16x16x128xf32, #tpu.memory_space<vmem>>, %arg7: memref<16x512xf32, #tpu.memory_space<vmem>>, %arg8: memref<!tpu.dma_semaphore, #tpu.memory_space<semaphore_mem>>, %arg9: memref<!tpu.dma_semaphore, #tpu.memory_space<semaphore_mem>>, %arg10: memref<!tpu.dma_semaphore, #tpu.memory_space<semaphore_mem>>, %arg11: memref<!tpu.dma_semaphore, #tpu.memory_space<semaphore_mem>>, %arg12: memref<!tpu.dma_semaphore, #tpu.memory_space<semaphore_mem>>, %arg13: memref<!tpu.dma_semaphore, #tpu.memory_space<semaphore_mem>>, %arg14: memref<!tpu.dma_semaphore, #tpu.memory_space<semaphore_mem>>, %arg15: memref<!tpu.dma_semaphore, #tpu.memory_space<semaphore_mem>>, %arg16: memref<!tpu.dma_semaphore, #tpu.memory_space<semaphore_mem>>, %arg17: memref<!tpu.dma_semaphore, #tpu.memory_space<semaphore_mem>>, %arg18: memref<!tpu.dma_semaphore, #tpu.memory_space<semaphore_mem>>, %arg19: memref<!tpu.dma_semaphore, #tpu.memory_space<semaphore_mem>>, %arg20: memref<!tpu.dma_semaphore, #tpu.memory_space<semaphore_mem>>, %arg21: memref<!tpu.dma_semaphore, #tpu.memory_space<semaphore_mem>>, %arg22: memref<!tpu.dma_semaphore, #tpu.memory_space<semaphore_mem>>, %arg23: memref<!tpu.dma_semaphore, #tpu.memory_space<semaphore_mem>>) attributes {dimension_semantics = [#tpu.dimension_semantics<core_parallel>, #tpu.dimension_semantics<subcore_parallel>], iteration_bounds = array<i64: 2, 16>, scalar_prefetch = 0 : i64, scratch_operands = 19 : i64, tpu.core_type = #tpu.core_type<sc_vector_subcore>, window_params = [{transform_indices = #map}, {transform_indices = #map1}, {transform_indices = #map1}]} {
    %mul3A = arith.constant 2 : i32
    %mul3A_0 = arith.muli %arg1, %mul3A : i32
    %add3A = arith.addi %mul3A_0, %arg0 : i32
    %mul3A_1 = arith.constant 512 : i32
    %mul3A_2 = arith.muli %add3A, %mul3A_1 : i32
    "tpu.region"() ({
      %run_scoped3A = tpu.sem_alloc : memref<!tpu.dma_semaphore, #tpu.memory_space<semaphore_mem>>
      %dma_start3A = tpu.memref_slice %arg2[%mul3A_2] : memref<16384xi32, #tpu.memory_space<hbm>> -> memref<512xi32, #tpu.memory_space<hbm>>
      %dma_start3A_9 = tpu.memref_slice %arg2[%mul3A_2] : memref<16384xi32, #tpu.memory_space<hbm>> -> memref<512xi32, #tpu.memory_space<hbm>>
      tpu.enqueue_dma source(%dma_start3A_9 : memref<512xi32, #tpu.memory_space<hbm>>) target(%arg5 : memref<512xi32, #tpu.memory_space<vmem>>) target_semaphore(%run_scoped3A : memref<!tpu.dma_semaphore, #tpu.memory_space<semaphore_mem>>)
      %dma_wait3A = tpu.memref_slice %arg2[%mul3A_2] : memref<16384xi32, #tpu.memory_space<hbm>> -> memref<512xi32, #tpu.memory_space<hbm>>
      %dma_wait3A_10 = tpu.memref_slice %arg2[%mul3A_2] : memref<16384xi32, #tpu.memory_space<hbm>> -> memref<512xi32, #tpu.memory_space<hbm>>
      tpu.wait_dma2 semaphore(%run_scoped3A : memref<!tpu.dma_semaphore, #tpu.memory_space<semaphore_mem>>) src(%dma_wait3A_10 : memref<512xi32, #tpu.memory_space<hbm>>) dst(%arg5 : memref<512xi32, #tpu.memory_space<vmem>>)
      tpu.yield
    }) : () -> ()
    %iota3A = tpu.iota {dimensions = array<i32: 0>} : vector<16xi32>
    %scan3A = arith.constant 0 : i32
    %scan3A_3 = arith.constant 0 : i32
    %scan3A_4 = arith.constant 32 : i32
    %scan3A_5 = arith.addi %scan3A_3, %scan3A_4 : i32
    %scan3A_6 = arith.constant 1 : i32
    %scan3A_7 = scf.for %scan3A_9 = %scan3A_3 to %scan3A_5 step %scan3A_6 iter_args(%scan3A_10 = %scan3A) -> (i32)  : i32 {
      %mul3A_11 = arith.constant 16 : i32
      %mul3A_12 = arith.muli %scan3A_9, %mul3A_11 : i32
      %get3A = arith.index_cast %mul3A_12 : i32 to index
      %get3A_13 = tpu.vector_load %arg5[%get3A] {strides = array<i32>} : memref<512xi32, #tpu.memory_space<vmem>>, vector<16xi32>,
      %shift_right_logical3A = arith.constant 7 : i32
      %shift_right_logical3A_14 = vector.broadcast %shift_right_logical3A : i32 to vector<16xi32>
      %shift_right_logical3A_15 = arith.shrui %get3A_13, %shift_right_logical3A_14 : vector<16xi32>
      %shift_left3A = arith.constant 7 : i32
      %shift_left3A_16 = vector.broadcast %shift_left3A : i32 to vector<16xi32>
      %shift_left3A_17 = arith.shli %shift_right_logical3A_15, %shift_left3A_16 : vector<16xi32>
      %slice3A = vector.extract_strided_slice %shift_left3A_17 {offsets = [0], sizes = [1], strides = [1]} : vector<16xi32> to vector<1xi32>
      %squeeze3A = vector.extract %slice3A[0] : i32 from vector<1xi32>
      %multiple_of3A = tpu.assume_multiple %squeeze3A, 128 : i32
      %dma_start3A = arith.constant 0 : i32
      %dma_start3A_18 = arith.constant 0 : i32
      %dma_start3A_19 = arith.constant 0 : i32
      %dma_start3A_20 = tpu.memref_slice %arg6[%dma_start3A, %dma_start3A_18, %dma_start3A_19] : memref<16x16x128xf32, #tpu.memory_space<vmem>> -> memref<1x16x128xf32, #tpu.memory_space<vmem>>
      %dma_start3A_21 = tpu.memref_squeeze %dma_start3A_20 : memref<1x16x128xf32, #tpu.memory_space<vmem>> -> memref<16x128xf32, #tpu.memory_space<vmem>>
      %dma_start3A_22 = arith.constant 0 : i32
      %dma_start3A_23 = tpu.memref_slice %arg3[%dma_start3A_22, %multiple_of3A] : memref<16x1000000xf32, #tpu.memory_space<hbm>> -> memref<16x128xf32, #tpu.memory_space<hbm>>
      %dma_start3A_24 = arith.constant 0 : i32
      %dma_start3A_25 = arith.constant 0 : i32
      %dma_start3A_26 = tpu.memref_slice %arg6[%dma_start3A, %dma_start3A_24, %dma_start3A_25] : memref<16x16x128xf32, #tpu.memory_space<vmem>> -> memref<1x16x128xf32, #tpu.memory_space<vmem>>
      %dma_start3A_27 = tpu.memref_squeeze %dma_start3A_26 : memref<1x16x128xf32, #tpu.memory_space<vmem>> -> memref<16x128xf32, #tpu.memory_space<vmem>>
      %dma_start3A_28 = arith.constant 0 : i32
      %dma_start3A_29 = tpu.memref_slice %arg3[%dma_start3A_28, %multiple_of3A] : memref<16x1000000xf32, #tpu.memory_space<hbm>> -> memref<16x128xf32, #tpu.memory_space<hbm>>
      tpu.enqueue_dma source(%dma_start3A_29 : memref<16x128xf32, #tpu.memory_space<hbm>>) target(%dma_start3A_27 : memref<16x128xf32, #tpu.memory_space<vmem>>) target_semaphore(%arg8 : memref<!tpu.dma_semaphore, #tpu.memory_space<semaphore_mem>>)
      %slice3A_30 = vector.extract_strided_slice %shift_left3A_17 {offsets = [1], sizes = [1], strides = [1]} : vector<16xi32> to vector<1xi32>
      %squeeze3A_31 = vector.extract %slice3A_30[0] : i32 from vector<1xi32>
      %multiple_of3A_32 = tpu.assume_multiple %squeeze3A_31, 128 : i32
      %dma_start3A_33 = arith.constant 1 : i32
      %dma_start3A_34 = arith.constant 0 : i32
      %dma_start3A_35 = arith.constant 0 : i32
      %dma_start3A_36 = tpu.memref_slice %arg6[%dma_start3A_33, %dma_start3A_34, %dma_start3A_35] : memref<16x16x128xf32, #tpu.memory_space<vmem>> -> memref<1x16x128xf32, #tpu.memory_space<vmem>>
      %dma_start3A_37 = tpu.memref_squeeze %dma_start3A_36 : memref<1x16x128xf32, #tpu.memory_space<vmem>> -> memref<16x128xf32, #tpu.memory_space<vmem>>
      %dma_start3A_38 = arith.constant 0 : i32
      %dma_start3A_39 = tpu.memref_slice %arg3[%dma_start3A_38, %multiple_of3A_32] : memref<16x1000000xf32, #tpu.memory_space<hbm>> -> memref<16x128xf32, #tpu.memory_space<hbm>>
      %dma_start3A_40 = arith.constant 0 : i32
      %dma_start3A_41 = arith.constant 0 : i32
      %dma_start3A_42 = tpu.memref_slice %arg6[%dma_start3A_33, %dma_start3A_40, %dma_start3A_41] : memref<16x16x128xf32, #tpu.memory_space<vmem>> -> memref<1x16x128xf32, #tpu.memory_space<vmem>>
      %dma_start3A_43 = tpu.memref_squeeze %dma_start3A_42 : memref<1x16x128xf32, #tpu.memory_space<vmem>> -> memref<16x128xf32, #tpu.memory_space<vmem>>
      %dma_start3A_44 = arith.constant 0 : i32
      %dma_start3A_45 = tpu.memref_slice %arg3[%dma_start3A_44, %multiple_of3A_32] : memref<16x1000000xf32, #tpu.memory_space<hbm>> -> memref<16x128xf32, #tpu.memory_space<hbm>>
      tpu.enqueue_dma source(%dma_start3A_45 : memref<16x128xf32, #tpu.memory_space<hbm>>) target(%dma_start3A_43 : memref<16x128xf32, #tpu.memory_space<vmem>>) target_semaphore(%arg9 : memref<!tpu.dma_semaphore, #tpu.memory_space<semaphore_mem>>)
      %slice3A_46 = vector.extract_strided_slice %shift_left3A_17 {offsets = [2], sizes = [1], strides = [1]} : vector<16xi32> to vector<1xi32>
      %squeeze3A_47 = vector.extract %slice3A_46[0] : i32 from vector<1xi32>
      %multiple_of3A_48 = tpu.assume_multiple %squeeze3A_47, 128 : i32
      %dma_start3A_49 = arith.constant 2 : i32
      %dma_start3A_50 = arith.constant 0 : i32
      %dma_start3A_51 = arith.constant 0 : i32
      %dma_start3A_52 = tpu.memref_slice %arg6[%dma_start3A_49, %dma_start3A_50, %dma_start3A_51] : memref<16x16x128xf32, #tpu.memory_space<vmem>> -> memref<1x16x128xf32, #tpu.memory_space<vmem>>
      %dma_start3A_53 = tpu.memref_squeeze %dma_start3A_52 : memref<1x16x128xf32, #tpu.memory_space<vmem>> -> memref<16x128xf32, #tpu.memory_space<vmem>>
      %dma_start3A_54 = arith.constant 0 : i32
      %dma_start3A_55 = tpu.memref_slice %arg3[%dma_start3A_54, %multiple_of3A_48] : memref<16x1000000xf32, #tpu.memory_space<hbm>> -> memref<16x128xf32, #tpu.memory_space<hbm>>
      %dma_start3A_56 = arith.constant 0 : i32
      %dma_start3A_57 = arith.constant 0 : i32
      %dma_start3A_58 = tpu.memref_slice %arg6[%dma_start3A_49, %dma_start3A_56, %dma_start3A_57] : memref<16x16x128xf32, #tpu.memory_space<vmem>> -> memref<1x16x128xf32, #tpu.memory_space<vmem>>
      %dma_start3A_59 = tpu.memref_squeeze %dma_start3A_58 : memref<1x16x128xf32, #tpu.memory_space<vmem>> -> memref<16x128xf32, #tpu.memory_space<vmem>>
      %dma_start3A_60 = arith.constant 0 : i32
      %dma_start3A_61 = tpu.memref_slice %arg3[%dma_start3A_60, %multiple_of3A_48] : memref<16x1000000xf32, #tpu.memory_space<hbm>> -> memref<16x128xf32, #tpu.memory_space<hbm>>
      tpu.enqueue_dma source(%dma_start3A_61 : memref<16x128xf32, #tpu.memory_space<hbm>>) target(%dma_start3A_59 : memref<16x128xf32, #tpu.memory_space<vmem>>) target_semaphore(%arg10 : memref<!tpu.dma_semaphore, #tpu.memory_space<semaphore_mem>>)
      %slice3A_62 = vector.extract_strided_slice %shift_left3A_17 {offsets = [3], sizes = [1], strides = [1]} : vector<16xi32> to vector<1xi32>
      %squeeze3A_63 = vector.extract %slice3A_62[0] : i32 from vector<1xi32>
      %multiple_of3A_64 = tpu.assume_multiple %squeeze3A_63, 128 : i32
      %dma_start3A_65 = arith.constant 3 : i32
      %dma_start3A_66 = arith.constant 0 : i32
      %dma_start3A_67 = arith.constant 0 : i32
      %dma_start3A_68 = tpu.memref_slice %arg6[%dma_start3A_65, %dma_start3A_66, %dma_start3A_67] : memref<16x16x128xf32, #tpu.memory_space<vmem>> -> memref<1x16x128xf32, #tpu.memory_space<vmem>>
      %dma_start3A_69 = tpu.memref_squeeze %dma_start3A_68 : memref<1x16x128xf32, #tpu.memory_space<vmem>> -> memref<16x128xf32, #tpu.memory_space<vmem>>
      %dma_start3A_70 = arith.constant 0 : i32
      %dma_start3A_71 = tpu.memref_slice %arg3[%dma_start3A_70, %multiple_of3A_64] : memref<16x1000000xf32, #tpu.memory_space<hbm>> -> memref<16x128xf32, #tpu.memory_space<hbm>>
      %dma_start3A_72 = arith.constant 0 : i32
      %dma_start3A_73 = arith.constant 0 : i32
      %dma_start3A_74 = tpu.memref_slice %arg6[%dma_start3A_65, %dma_start3A_72, %dma_start3A_73] : memref<16x16x128xf32, #tpu.memory_space<vmem>> -> memref<1x16x128xf32, #tpu.memory_space<vmem>>
      %dma_start3A_75 = tpu.memref_squeeze %dma_start3A_74 : memref<1x16x128xf32, #tpu.memory_space<vmem>> -> memref<16x128xf32, #tpu.memory_space<vmem>>
      %dma_start3A_76 = arith.constant 0 : i32
      %dma_start3A_77 = tpu.memref_slice %arg3[%dma_start3A_76, %multiple_of3A_64] : memref<16x1000000xf32, #tpu.memory_space<hbm>> -> memref<16x128xf32, #tpu.memory_space<hbm>>
      tpu.enqueue_dma source(%dma_start3A_77 : memref<16x128xf32, #tpu.memory_space<hbm>>) target(%dma_start3A_75 : memref<16x128xf32, #tpu.memory_space<vmem>>) target_semaphore(%arg11 : memref<!tpu.dma_semaphore, #tpu.memory_space<semaphore_mem>>)
      %slice3A_78 = vector.extract_strided_slice %shift_left3A_17 {offsets = [4], sizes = [1], strides = [1]} : vector<16xi32> to vector<1xi32>
      %squeeze3A_79 = vector.extract %slice3A_78[0] : i32 from vector<1xi32>
      %multiple_of3A_80 = tpu.assume_multiple %squeeze3A_79, 128 : i32
      %dma_start3A_81 = arith.constant 4 : i32
      %dma_start3A_82 = arith.constant 0 : i32
      %dma_start3A_83 = arith.constant 0 : i32
      %dma_start3A_84 = tpu.memref_slice %arg6[%dma_start3A_81, %dma_start3A_82, %dma_start3A_83] : memref<16x16x128xf32, #tpu.memory_space<vmem>> -> memref<1x16x128xf32, #tpu.memory_space<vmem>>
      %dma_start3A_85 = tpu.memref_squeeze %dma_start3A_84 : memref<1x16x128xf32, #tpu.memory_space<vmem>> -> memref<16x128xf32, #tpu.memory_space<vmem>>
      %dma_start3A_86 = arith.constant 0 : i32
      %dma_start3A_87 = tpu.memref_slice %arg3[%dma_start3A_86, %multiple_of3A_80] : memref<16x1000000xf32, #tpu.memory_space<hbm>> -> memref<16x128xf32, #tpu.memory_space<hbm>>
      %dma_start3A_88 = arith.constant 0 : i32
      %dma_start3A_89 = arith.constant 0 : i32
      %dma_start3A_90 = tpu.memref_slice %arg6[%dma_start3A_81, %dma_start3A_88, %dma_start3A_89] : memref<16x16x128xf32, #tpu.memory_space<vmem>> -> memref<1x16x128xf32, #tpu.memory_space<vmem>>
      %dma_start3A_91 = tpu.memref_squeeze %dma_start3A_90 : memref<1x16x128xf32, #tpu.memory_space<vmem>> -> memref<16x128xf32, #tpu.memory_space<vmem>>
      %dma_start3A_92 = arith.constant 0 : i32
      %dma_start3A_93 = tpu.memref_slice %arg3[%dma_start3A_92, %multiple_of3A_80] : memref<16x1000000xf32, #tpu.memory_space<hbm>> -> memref<16x128xf32, #tpu.memory_space<hbm>>
      tpu.enqueue_dma source(%dma_start3A_93 : memref<16x128xf32, #tpu.memory_space<hbm>>) target(%dma_start3A_91 : memref<16x128xf32, #tpu.memory_space<vmem>>) target_semaphore(%arg12 : memref<!tpu.dma_semaphore, #tpu.memory_space<semaphore_mem>>)
      %slice3A_94 = vector.extract_strided_slice %shift_left3A_17 {offsets = [5], sizes = [1], strides = [1]} : vector<16xi32> to vector<1xi32>
      %squeeze3A_95 = vector.extract %slice3A_94[0] : i32 from vector<1xi32>
      %multiple_of3A_96 = tpu.assume_multiple %squeeze3A_95, 128 : i32
      %dma_start3A_97 = arith.constant 5 : i32
      %dma_start3A_98 = arith.constant 0 : i32
      %dma_start3A_99 = arith.constant 0 : i32
      %dma_start3A_100 = tpu.memref_slice %arg6[%dma_start3A_97, %dma_start3A_98, %dma_start3A_99] : memref<16x16x128xf32, #tpu.memory_space<vmem>> -> memref<1x16x128xf32, #tpu.memory_space<vmem>>
      %dma_start3A_101 = tpu.memref_squeeze %dma_start3A_100 : memref<1x16x128xf32, #tpu.memory_space<vmem>> -> memref<16x128xf32, #tpu.memory_space<vmem>>
      %dma_start3A_102 = arith.constant 0 : i32
      %dma_start3A_103 = tpu.memref_slice %arg3[%dma_start3A_102, %multiple_of3A_96] : memref<16x1000000xf32, #tpu.memory_space<hbm>> -> memref<16x128xf32, #tpu.memory_space<hbm>>
      %dma_start3A_104 = arith.constant 0 : i32
      %dma_start3A_105 = arith.constant 0 : i32
      %dma_start3A_106 = tpu.memref_slice %arg6[%dma_start3A_97, %dma_start3A_104, %dma_start3A_105] : memref<16x16x128xf32, #tpu.memory_space<vmem>> -> memref<1x16x128xf32, #tpu.memory_space<vmem>>
      %dma_start3A_107 = tpu.memref_squeeze %dma_start3A_106 : memref<1x16x128xf32, #tpu.memory_space<vmem>> -> memref<16x128xf32, #tpu.memory_space<vmem>>
      %dma_start3A_108 = arith.constant 0 : i32
      %dma_start3A_109 = tpu.memref_slice %arg3[%dma_start3A_108, %multiple_of3A_96] : memref<16x1000000xf32, #tpu.memory_space<hbm>> -> memref<16x128xf32, #tpu.memory_space<hbm>>
      tpu.enqueue_dma source(%dma_start3A_109 : memref<16x128xf32, #tpu.memory_space<hbm>>) target(%dma_start3A_107 : memref<16x128xf32, #tpu.memory_space<vmem>>) target_semaphore(%arg13 : memref<!tpu.dma_semaphore, #tpu.memory_space<semaphore_mem>>)
      %slice3A_110 = vector.extract_strided_slice %shift_left3A_17 {offsets = [6], sizes = [1], strides = [1]} : vector<16xi32> to vector<1xi32>
      %squeeze3A_111 = vector.extract %slice3A_110[0] : i32 from vector<1xi32>
      %multiple_of3A_112 = tpu.assume_multiple %squeeze3A_111, 128 : i32
      %dma_start3A_113 = arith.constant 6 : i32
      %dma_start3A_114 = arith.constant 0 : i32
      %dma_start3A_115 = arith.constant 0 : i32
      %dma_start3A_116 = tpu.memref_slice %arg6[%dma_start3A_113, %dma_start3A_114, %dma_start3A_115] : memref<16x16x128xf32, #tpu.memory_space<vmem>> -> memref<1x16x128xf32, #tpu.memory_space<vmem>>
      %dma_start3A_117 = tpu.memref_squeeze %dma_start3A_116 : memref<1x16x128xf32, #tpu.memory_space<vmem>> -> memref<16x128xf32, #tpu.memory_space<vmem>>
      %dma_start3A_118 = arith.constant 0 : i32
      %dma_start3A_119 = tpu.memref_slice %arg3[%dma_start3A_118, %multiple_of3A_112] : memref<16x1000000xf32, #tpu.memory_space<hbm>> -> memref<16x128xf32, #tpu.memory_space<hbm>>
      %dma_start3A_120 = arith.constant 0 : i32
      %dma_start3A_121 = arith.constant 0 : i32
      %dma_start3A_122 = tpu.memref_slice %arg6[%dma_start3A_113, %dma_start3A_120, %dma_start3A_121] : memref<16x16x128xf32, #tpu.memory_space<vmem>> -> memref<1x16x128xf32, #tpu.memory_space<vmem>>
      %dma_start3A_123 = tpu.memref_squeeze %dma_start3A_122 : memref<1x16x128xf32, #tpu.memory_space<vmem>> -> memref<16x128xf32, #tpu.memory_space<vmem>>
      %dma_start3A_124 = arith.constant 0 : i32
      %dma_start3A_125 = tpu.memref_slice %arg3[%dma_start3A_124, %multiple_of3A_112] : memref<16x1000000xf32, #tpu.memory_space<hbm>> -> memref<16x128xf32, #tpu.memory_space<hbm>>
      tpu.enqueue_dma source(%dma_start3A_125 : memref<16x128xf32, #tpu.memory_space<hbm>>) target(%dma_start3A_123 : memref<16x128xf32, #tpu.memory_space<vmem>>) target_semaphore(%arg14 : memref<!tpu.dma_semaphore, #tpu.memory_space<semaphore_mem>>)
      %slice3A_126 = vector.extract_strided_slice %shift_left3A_17 {offsets = [7], sizes = [1], strides = [1]} : vector<16xi32> to vector<1xi32>
      %squeeze3A_127 = vector.extract %slice3A_126[0] : i32 from vector<1xi32>
      %multiple_of3A_128 = tpu.assume_multiple %squeeze3A_127, 128 : i32
      %dma_start3A_129 = arith.constant 7 : i32
      %dma_start3A_130 = arith.constant 0 : i32
      %dma_start3A_131 = arith.constant 0 : i32
      %dma_start3A_132 = tpu.memref_slice %arg6[%dma_start3A_129, %dma_start3A_130, %dma_start3A_131] : memref<16x16x128xf32, #tpu.memory_space<vmem>> -> memref<1x16x128xf32, #tpu.memory_space<vmem>>
      %dma_start3A_133 = tpu.memref_squeeze %dma_start3A_132 : memref<1x16x128xf32, #tpu.memory_space<vmem>> -> memref<16x128xf32, #tpu.memory_space<vmem>>
      %dma_start3A_134 = arith.constant 0 : i32
      %dma_start3A_135 = tpu.memref_slice %arg3[%dma_start3A_134, %multiple_of3A_128] : memref<16x1000000xf32, #tpu.memory_space<hbm>> -> memref<16x128xf32, #tpu.memory_space<hbm>>
      %dma_start3A_136 = arith.constant 0 : i32
      %dma_start3A_137 = arith.constant 0 : i32
      %dma_start3A_138 = tpu.memref_slice %arg6[%dma_start3A_129, %dma_start3A_136, %dma_start3A_137] : memref<16x16x128xf32, #tpu.memory_space<vmem>> -> memref<1x16x128xf32, #tpu.memory_space<vmem>>
      %dma_start3A_139 = tpu.memref_squeeze %dma_start3A_138 : memref<1x16x128xf32, #tpu.memory_space<vmem>> -> memref<16x128xf32, #tpu.memory_space<vmem>>
      %dma_start3A_140 = arith.constant 0 : i32
      %dma_start3A_141 = tpu.memref_slice %arg3[%dma_start3A_140, %multiple_of3A_128] : memref<16x1000000xf32, #tpu.memory_space<hbm>> -> memref<16x128xf32, #tpu.memory_space<hbm>>
      tpu.enqueue_dma source(%dma_start3A_141 : memref<16x128xf32, #tpu.memory_space<hbm>>) target(%dma_start3A_139 : memref<16x128xf32, #tpu.memory_space<vmem>>) target_semaphore(%arg15 : memref<!tpu.dma_semaphore, #tpu.memory_space<semaphore_mem>>)
      %slice3A_142 = vector.extract_strided_slice %shift_left3A_17 {offsets = [8], sizes = [1], strides = [1]} : vector<16xi32> to vector<1xi32>
      %squeeze3A_143 = vector.extract %slice3A_142[0] : i32 from vector<1xi32>
      %multiple_of3A_144 = tpu.assume_multiple %squeeze3A_143, 128 : i32
      %dma_start3A_145 = arith.constant 8 : i32
      %dma_start3A_146 = arith.constant 0 : i32
      %dma_start3A_147 = arith.constant 0 : i32
      %dma_start3A_148 = tpu.memref_slice %arg6[%dma_start3A_145, %dma_start3A_146, %dma_start3A_147] : memref<16x16x128xf32, #tpu.memory_space<vmem>> -> memref<1x16x128xf32, #tpu.memory_space<vmem>>
      %dma_start3A_149 = tpu.memref_squeeze %dma_start3A_148 : memref<1x16x128xf32, #tpu.memory_space<vmem>> -> memref<16x128xf32, #tpu.memory_space<vmem>>
      %dma_start3A_150 = arith.constant 0 : i32
      %dma_start3A_151 = tpu.memref_slice %arg3[%dma_start3A_150, %multiple_of3A_144] : memref<16x1000000xf32, #tpu.memory_space<hbm>> -> memref<16x128xf32, #tpu.memory_space<hbm>>
      %dma_start3A_152 = arith.constant 0 : i32
      %dma_start3A_153 = arith.constant 0 : i32
      %dma_start3A_154 = tpu.memref_slice %arg6[%dma_start3A_145, %dma_start3A_152, %dma_start3A_153] : memref<16x16x128xf32, #tpu.memory_space<vmem>> -> memref<1x16x128xf32, #tpu.memory_space<vmem>>
      %dma_start3A_155 = tpu.memref_squeeze %dma_start3A_154 : memref<1x16x128xf32, #tpu.memory_space<vmem>> -> memref<16x128xf32, #tpu.memory_space<vmem>>
      %dma_start3A_156 = arith.constant 0 : i32
      %dma_start3A_157 = tpu.memref_slice %arg3[%dma_start3A_156, %multiple_of3A_144] : memref<16x1000000xf32, #tpu.memory_space<hbm>> -> memref<16x128xf32, #tpu.memory_space<hbm>>
      tpu.enqueue_dma source(%dma_start3A_157 : memref<16x128xf32, #tpu.memory_space<hbm>>) target(%dma_start3A_155 : memref<16x128xf32, #tpu.memory_space<vmem>>) target_semaphore(%arg16 : memref<!tpu.dma_semaphore, #tpu.memory_space<semaphore_mem>>)
      %slice3A_158 = vector.extract_strided_slice %shift_left3A_17 {offsets = [9], sizes = [1], strides = [1]} : vector<16xi32> to vector<1xi32>
      %squeeze3A_159 = vector.extract %slice3A_158[0] : i32 from vector<1xi32>
      %multiple_of3A_160 = tpu.assume_multiple %squeeze3A_159, 128 : i32
      %dma_start3A_161 = arith.constant 9 : i32
      %dma_start3A_162 = arith.constant 0 : i32
      %dma_start3A_163 = arith.constant 0 : i32
      %dma_start3A_164 = tpu.memref_slice %arg6[%dma_start3A_161, %dma_start3A_162, %dma_start3A_163] : memref<16x16x128xf32, #tpu.memory_space<vmem>> -> memref<1x16x128xf32, #tpu.memory_space<vmem>>
      %dma_start3A_165 = tpu.memref_squeeze %dma_start3A_164 : memref<1x16x128xf32, #tpu.memory_space<vmem>> -> memref<16x128xf32, #tpu.memory_space<vmem>>
      %dma_start3A_166 = arith.constant 0 : i32
      %dma_start3A_167 = tpu.memref_slice %arg3[%dma_start3A_166, %multiple_of3A_160] : memref<16x1000000xf32, #tpu.memory_space<hbm>> -> memref<16x128xf32, #tpu.memory_space<hbm>>
      %dma_start3A_168 = arith.constant 0 : i32
      %dma_start3A_169 = arith.constant 0 : i32
      %dma_start3A_170 = tpu.memref_slice %arg6[%dma_start3A_161, %dma_start3A_168, %dma_start3A_169] : memref<16x16x128xf32, #tpu.memory_space<vmem>> -> memref<1x16x128xf32, #tpu.memory_space<vmem>>
      %dma_start3A_171 = tpu.memref_squeeze %dma_start3A_170 : memref<1x16x128xf32, #tpu.memory_space<vmem>> -> memref<16x128xf32, #tpu.memory_space<vmem>>
      %dma_start3A_172 = arith.constant 0 : i32
      %dma_start3A_173 = tpu.memref_slice %arg3[%dma_start3A_172, %multiple_of3A_160] : memref<16x1000000xf32, #tpu.memory_space<hbm>> -> memref<16x128xf32, #tpu.memory_space<hbm>>
      tpu.enqueue_dma source(%dma_start3A_173 : memref<16x128xf32, #tpu.memory_space<hbm>>) target(%dma_start3A_171 : memref<16x128xf32, #tpu.memory_space<vmem>>) target_semaphore(%arg17 : memref<!tpu.dma_semaphore, #tpu.memory_space<semaphore_mem>>)
      %slice3A_174 = vector.extract_strided_slice %shift_left3A_17 {offsets = [10], sizes = [1], strides = [1]} : vector<16xi32> to vector<1xi32>
      %squeeze3A_175 = vector.extract %slice3A_174[0] : i32 from vector<1xi32>
      %multiple_of3A_176 = tpu.assume_multiple %squeeze3A_175, 128 : i32
      %dma_start3A_177 = arith.constant 10 : i32
      %dma_start3A_178 = arith.constant 0 : i32
      %dma_start3A_179 = arith.constant 0 : i32
      %dma_start3A_180 = tpu.memref_slice %arg6[%dma_start3A_177, %dma_start3A_178, %dma_start3A_179] : memref<16x16x128xf32, #tpu.memory_space<vmem>> -> memref<1x16x128xf32, #tpu.memory_space<vmem>>
      %dma_start3A_181 = tpu.memref_squeeze %dma_start3A_180 : memref<1x16x128xf32, #tpu.memory_space<vmem>> -> memref<16x128xf32, #tpu.memory_space<vmem>>
      %dma_start3A_182 = arith.constant 0 : i32
      %dma_start3A_183 = tpu.memref_slice %arg3[%dma_start3A_182, %multiple_of3A_176] : memref<16x1000000xf32, #tpu.memory_space<hbm>> -> memref<16x128xf32, #tpu.memory_space<hbm>>
      %dma_start3A_184 = arith.constant 0 : i32
      %dma_start3A_185 = arith.constant 0 : i32
      %dma_start3A_186 = tpu.memref_slice %arg6[%dma_start3A_177, %dma_start3A_184, %dma_start3A_185] : memref<16x16x128xf32, #tpu.memory_space<vmem>> -> memref<1x16x128xf32, #tpu.memory_space<vmem>>
      %dma_start3A_187 = tpu.memref_squeeze %dma_start3A_186 : memref<1x16x128xf32, #tpu.memory_space<vmem>> -> memref<16x128xf32, #tpu.memory_space<vmem>>
      %dma_start3A_188 = arith.constant 0 : i32
      %dma_start3A_189 = tpu.memref_slice %arg3[%dma_start3A_188, %multiple_of3A_176] : memref<16x1000000xf32, #tpu.memory_space<hbm>> -> memref<16x128xf32, #tpu.memory_space<hbm>>
      tpu.enqueue_dma source(%dma_start3A_189 : memref<16x128xf32, #tpu.memory_space<hbm>>) target(%dma_start3A_187 : memref<16x128xf32, #tpu.memory_space<vmem>>) target_semaphore(%arg18 : memref<!tpu.dma_semaphore, #tpu.memory_space<semaphore_mem>>)
      %slice3A_190 = vector.extract_strided_slice %shift_left3A_17 {offsets = [11], sizes = [1], strides = [1]} : vector<16xi32> to vector<1xi32>
      %squeeze3A_191 = vector.extract %slice3A_190[0] : i32 from vector<1xi32>
      %multiple_of3A_192 = tpu.assume_multiple %squeeze3A_191, 128 : i32
      %dma_start3A_193 = arith.constant 11 : i32
      %dma_start3A_194 = arith.constant 0 : i32
      %dma_start3A_195 = arith.constant 0 : i32
      %dma_start3A_196 = tpu.memref_slice %arg6[%dma_start3A_193, %dma_start3A_194, %dma_start3A_195] : memref<16x16x128xf32, #tpu.memory_space<vmem>> -> memref<1x16x128xf32, #tpu.memory_space<vmem>>
      %dma_start3A_197 = tpu.memref_squeeze %dma_start3A_196 : memref<1x16x128xf32, #tpu.memory_space<vmem>> -> memref<16x128xf32, #tpu.memory_space<vmem>>
      %dma_start3A_198 = arith.constant 0 : i32
      %dma_start3A_199 = tpu.memref_slice %arg3[%dma_start3A_198, %multiple_of3A_192] : memref<16x1000000xf32, #tpu.memory_space<hbm>> -> memref<16x128xf32, #tpu.memory_space<hbm>>
      %dma_start3A_200 = arith.constant 0 : i32
      %dma_start3A_201 = arith.constant 0 : i32
      %dma_start3A_202 = tpu.memref_slice %arg6[%dma_start3A_193, %dma_start3A_200, %dma_start3A_201] : memref<16x16x128xf32, #tpu.memory_space<vmem>> -> memref<1x16x128xf32, #tpu.memory_space<vmem>>
      %dma_start3A_203 = tpu.memref_squeeze %dma_start3A_202 : memref<1x16x128xf32, #tpu.memory_space<vmem>> -> memref<16x128xf32, #tpu.memory_space<vmem>>
      %dma_start3A_204 = arith.constant 0 : i32
      %dma_start3A_205 = tpu.memref_slice %arg3[%dma_start3A_204, %multiple_of3A_192] : memref<16x1000000xf32, #tpu.memory_space<hbm>> -> memref<16x128xf32, #tpu.memory_space<hbm>>
      tpu.enqueue_dma source(%dma_start3A_205 : memref<16x128xf32, #tpu.memory_space<hbm>>) target(%dma_start3A_203 : memref<16x128xf32, #tpu.memory_space<vmem>>) target_semaphore(%arg19 : memref<!tpu.dma_semaphore, #tpu.memory_space<semaphore_mem>>)
      %slice3A_206 = vector.extract_strided_slice %shift_left3A_17 {offsets = [12], sizes = [1], strides = [1]} : vector<16xi32> to vector<1xi32>
      %squeeze3A_207 = vector.extract %slice3A_206[0] : i32 from vector<1xi32>
      %multiple_of3A_208 = tpu.assume_multiple %squeeze3A_207, 128 : i32
      %dma_start3A_209 = arith.constant 12 : i32
      %dma_start3A_210 = arith.constant 0 : i32
      %dma_start3A_211 = arith.constant 0 : i32
      %dma_start3A_212 = tpu.memref_slice %arg6[%dma_start3A_209, %dma_start3A_210, %dma_start3A_211] : memref<16x16x128xf32, #tpu.memory_space<vmem>> -> memref<1x16x128xf32, #tpu.memory_space<vmem>>
      %dma_start3A_213 = tpu.memref_squeeze %dma_start3A_212 : memref<1x16x128xf32, #tpu.memory_space<vmem>> -> memref<16x128xf32, #tpu.memory_space<vmem>>
      %dma_start3A_214 = arith.constant 0 : i32
      %dma_start3A_215 = tpu.memref_slice %arg3[%dma_start3A_214, %multiple_of3A_208] : memref<16x1000000xf32, #tpu.memory_space<hbm>> -> memref<16x128xf32, #tpu.memory_space<hbm>>
      %dma_start3A_216 = arith.constant 0 : i32
      %dma_start3A_217 = arith.constant 0 : i32
      %dma_start3A_218 = tpu.memref_slice %arg6[%dma_start3A_209, %dma_start3A_216, %dma_start3A_217] : memref<16x16x128xf32, #tpu.memory_space<vmem>> -> memref<1x16x128xf32, #tpu.memory_space<vmem>>
      %dma_start3A_219 = tpu.memref_squeeze %dma_start3A_218 : memref<1x16x128xf32, #tpu.memory_space<vmem>> -> memref<16x128xf32, #tpu.memory_space<vmem>>
      %dma_start3A_220 = arith.constant 0 : i32
      %dma_start3A_221 = tpu.memref_slice %arg3[%dma_start3A_220, %multiple_of3A_208] : memref<16x1000000xf32, #tpu.memory_space<hbm>> -> memref<16x128xf32, #tpu.memory_space<hbm>>
      tpu.enqueue_dma source(%dma_start3A_221 : memref<16x128xf32, #tpu.memory_space<hbm>>) target(%dma_start3A_219 : memref<16x128xf32, #tpu.memory_space<vmem>>) target_semaphore(%arg20 : memref<!tpu.dma_semaphore, #tpu.memory_space<semaphore_mem>>)
      %slice3A_222 = vector.extract_strided_slice %shift_left3A_17 {offsets = [13], sizes = [1], strides = [1]} : vector<16xi32> to vector<1xi32>
      %squeeze3A_223 = vector.extract %slice3A_222[0] : i32 from vector<1xi32>
      %multiple_of3A_224 = tpu.assume_multiple %squeeze3A_223, 128 : i32
      %dma_start3A_225 = arith.constant 13 : i32
      %dma_start3A_226 = arith.constant 0 : i32
      %dma_start3A_227 = arith.constant 0 : i32
      %dma_start3A_228 = tpu.memref_slice %arg6[%dma_start3A_225, %dma_start3A_226, %dma_start3A_227] : memref<16x16x128xf32, #tpu.memory_space<vmem>> -> memref<1x16x128xf32, #tpu.memory_space<vmem>>
      %dma_start3A_229 = tpu.memref_squeeze %dma_start3A_228 : memref<1x16x128xf32, #tpu.memory_space<vmem>> -> memref<16x128xf32, #tpu.memory_space<vmem>>
      %dma_start3A_230 = arith.constant 0 : i32
      %dma_start3A_231 = tpu.memref_slice %arg3[%dma_start3A_230, %multiple_of3A_224] : memref<16x1000000xf32, #tpu.memory_space<hbm>> -> memref<16x128xf32, #tpu.memory_space<hbm>>
      %dma_start3A_232 = arith.constant 0 : i32
      %dma_start3A_233 = arith.constant 0 : i32
      %dma_start3A_234 = tpu.memref_slice %arg6[%dma_start3A_225, %dma_start3A_232, %dma_start3A_233] : memref<16x16x128xf32, #tpu.memory_space<vmem>> -> memref<1x16x128xf32, #tpu.memory_space<vmem>>
      %dma_start3A_235 = tpu.memref_squeeze %dma_start3A_234 : memref<1x16x128xf32, #tpu.memory_space<vmem>> -> memref<16x128xf32, #tpu.memory_space<vmem>>
      %dma_start3A_236 = arith.constant 0 : i32
      %dma_start3A_237 = tpu.memref_slice %arg3[%dma_start3A_236, %multiple_of3A_224] : memref<16x1000000xf32, #tpu.memory_space<hbm>> -> memref<16x128xf32, #tpu.memory_space<hbm>>
      tpu.enqueue_dma source(%dma_start3A_237 : memref<16x128xf32, #tpu.memory_space<hbm>>) target(%dma_start3A_235 : memref<16x128xf32, #tpu.memory_space<vmem>>) target_semaphore(%arg21 : memref<!tpu.dma_semaphore, #tpu.memory_space<semaphore_mem>>)
      %slice3A_238 = vector.extract_strided_slice %shift_left3A_17 {offsets = [14], sizes = [1], strides = [1]} : vector<16xi32> to vector<1xi32>
      %squeeze3A_239 = vector.extract %slice3A_238[0] : i32 from vector<1xi32>
      %multiple_of3A_240 = tpu.assume_multiple %squeeze3A_239, 128 : i32
      %dma_start3A_241 = arith.constant 14 : i32
      %dma_start3A_242 = arith.constant 0 : i32
      %dma_start3A_243 = arith.constant 0 : i32
      %dma_start3A_244 = tpu.memref_slice %arg6[%dma_start3A_241, %dma_start3A_242, %dma_start3A_243] : memref<16x16x128xf32, #tpu.memory_space<vmem>> -> memref<1x16x128xf32, #tpu.memory_space<vmem>>
      %dma_start3A_245 = tpu.memref_squeeze %dma_start3A_244 : memref<1x16x128xf32, #tpu.memory_space<vmem>> -> memref<16x128xf32, #tpu.memory_space<vmem>>
      %dma_start3A_246 = arith.constant 0 : i32
      %dma_start3A_247 = tpu.memref_slice %arg3[%dma_start3A_246, %multiple_of3A_240] : memref<16x1000000xf32, #tpu.memory_space<hbm>> -> memref<16x128xf32, #tpu.memory_space<hbm>>
      %dma_start3A_248 = arith.constant 0 : i32
      %dma_start3A_249 = arith.constant 0 : i32
      %dma_start3A_250 = tpu.memref_slice %arg6[%dma_start3A_241, %dma_start3A_248, %dma_start3A_249] : memref<16x16x128xf32, #tpu.memory_space<vmem>> -> memref<1x16x128xf32, #tpu.memory_space<vmem>>
      %dma_start3A_251 = tpu.memref_squeeze %dma_start3A_250 : memref<1x16x128xf32, #tpu.memory_space<vmem>> -> memref<16x128xf32, #tpu.memory_space<vmem>>
      %dma_start3A_252 = arith.constant 0 : i32
      %dma_start3A_253 = tpu.memref_slice %arg3[%dma_start3A_252, %multiple_of3A_240] : memref<16x1000000xf32, #tpu.memory_space<hbm>> -> memref<16x128xf32, #tpu.memory_space<hbm>>
      tpu.enqueue_dma source(%dma_start3A_253 : memref<16x128xf32, #tpu.memory_space<hbm>>) target(%dma_start3A_251 : memref<16x128xf32, #tpu.memory_space<vmem>>) target_semaphore(%arg22 : memref<!tpu.dma_semaphore, #tpu.memory_space<semaphore_mem>>)
      %slice3A_254 = vector.extract_strided_slice %shift_left3A_17 {offsets = [15], sizes = [1], strides = [1]} : vector<16xi32> to vector<1xi32>
      %squeeze3A_255 = vector.extract %slice3A_254[0] : i32 from vector<1xi32>
      %multiple_of3A_256 = tpu.assume_multiple %squeeze3A_255, 128 : i32
      %dma_start3A_257 = arith.constant 15 : i32
      %dma_start3A_258 = arith.constant 0 : i32
      %dma_start3A_259 = arith.constant 0 : i32
      %dma_start3A_260 = tpu.memref_slice %arg6[%dma_start3A_257, %dma_start3A_258, %dma_start3A_259] : memref<16x16x128xf32, #tpu.memory_space<vmem>> -> memref<1x16x128xf32, #tpu.memory_space<vmem>>
      %dma_start3A_261 = tpu.memref_squeeze %dma_start3A_260 : memref<1x16x128xf32, #tpu.memory_space<vmem>> -> memref<16x128xf32, #tpu.memory_space<vmem>>
      %dma_start3A_262 = arith.constant 0 : i32
      %dma_start3A_263 = tpu.memref_slice %arg3[%dma_start3A_262, %multiple_of3A_256] : memref<16x1000000xf32, #tpu.memory_space<hbm>> -> memref<16x128xf32, #tpu.memory_space<hbm>>
      %dma_start3A_264 = arith.constant 0 : i32
      %dma_start3A_265 = arith.constant 0 : i32
      %dma_start3A_266 = tpu.memref_slice %arg6[%dma_start3A_257, %dma_start3A_264, %dma_start3A_265] : memref<16x16x128xf32, #tpu.memory_space<vmem>> -> memref<1x16x128xf32, #tpu.memory_space<vmem>>
      %dma_start3A_267 = tpu.memref_squeeze %dma_start3A_266 : memref<1x16x128xf32, #tpu.memory_space<vmem>> -> memref<16x128xf32, #tpu.memory_space<vmem>>
      %dma_start3A_268 = arith.constant 0 : i32
      %dma_start3A_269 = tpu.memref_slice %arg3[%dma_start3A_268, %multiple_of3A_256] : memref<16x1000000xf32, #tpu.memory_space<hbm>> -> memref<16x128xf32, #tpu.memory_space<hbm>>
      tpu.enqueue_dma source(%dma_start3A_269 : memref<16x128xf32, #tpu.memory_space<hbm>>) target(%dma_start3A_267 : memref<16x128xf32, #tpu.memory_space<vmem>>) target_semaphore(%arg23 : memref<!tpu.dma_semaphore, #tpu.memory_space<semaphore_mem>>)
      %sub3A = arith.subi %get3A_13, %shift_left3A_17 : vector<16xi32>
      %dma_wait3A = arith.constant 0 : i32
      %dma_wait3A_270 = arith.constant 0 : i32
      %dma_wait3A_271 = arith.constant 0 : i32
      %dma_wait3A_272 = tpu.memref_slice %arg6[%dma_wait3A, %dma_wait3A_270, %dma_wait3A_271] : memref<16x16x128xf32, #tpu.memory_space<vmem>> -> memref<1x16x128xf32, #tpu.memory_space<vmem>>
      %dma_wait3A_273 = tpu.memref_squeeze %dma_wait3A_272 : memref<1x16x128xf32, #tpu.memory_space<vmem>> -> memref<16x128xf32, #tpu.memory_space<vmem>>
      %dma_wait3A_274 = arith.constant 0 : i32
      %dma_wait3A_275 = tpu.memref_slice %arg3[%dma_wait3A_274, %multiple_of3A] : memref<16x1000000xf32, #tpu.memory_space<hbm>> -> memref<16x128xf32, #tpu.memory_space<hbm>>
      %dma_wait3A_276 = arith.constant 0 : i32
      %dma_wait3A_277 = arith.constant 0 : i32
      %dma_wait3A_278 = tpu.memref_slice %arg6[%dma_wait3A, %dma_wait3A_276, %dma_wait3A_277] : memref<16x16x128xf32, #tpu.memory_space<vmem>> -> memref<1x16x128xf32, #tpu.memory_space<vmem>>
      %dma_wait3A_279 = tpu.memref_squeeze %dma_wait3A_278 : memref<1x16x128xf32, #tpu.memory_space<vmem>> -> memref<16x128xf32, #tpu.memory_space<vmem>>
      %dma_wait3A_280 = arith.constant 0 : i32
      %dma_wait3A_281 = tpu.memref_slice %arg3[%dma_wait3A_280, %multiple_of3A] : memref<16x1000000xf32, #tpu.memory_space<hbm>> -> memref<16x128xf32, #tpu.memory_space<hbm>>
      tpu.wait_dma2 semaphore(%arg8 : memref<!tpu.dma_semaphore, #tpu.memory_space<semaphore_mem>>) src(%dma_wait3A_281 : memref<16x128xf32, #tpu.memory_space<hbm>>) dst(%dma_wait3A_279 : memref<16x128xf32, #tpu.memory_space<vmem>>)
      %broadcast_in_dim3A = arith.constant 0 : i32
      %broadcast_in_dim3A_282 = vector.broadcast %broadcast_in_dim3A : i32 to vector<16xi32>
      %slice3A_283 = vector.extract_strided_slice %sub3A {offsets = [0], sizes = [1], strides = [1]} : vector<16xi32> to vector<1xi32>
      %squeeze3A_284 = vector.extract %slice3A_283[0] : i32 from vector<1xi32>
      %broadcast_in_dim3A_285 = vector.broadcast %squeeze3A_284 : i32 to vector<16xi32>
      %gather3A = tpu.vector_load_idx %arg6[%broadcast_in_dim3A_282, %iota3A, %broadcast_in_dim3A_285] : memref<16x16x128xf32, #tpu.memory_space<vmem>>[vector<16xi32>, vector<16xi32>, vector<16xi32>], vector<16xf32>,
      %add3A_286 = arith.constant 0 : i32
      %add3A_287 = arith.addi %mul3A_12, %add3A_286 : i32
      %broadcast_in_dim3A_288 = vector.broadcast %add3A_287 : i32 to vector<16xi32>
      tpu.vector_store_idx %arg7[%iota3A, %broadcast_in_dim3A_288], %gather3A : memref<16x512xf32, #tpu.memory_space<vmem>>[vector<16xi32>, vector<16xi32>], vector<16xf32>,
      %dma_wait3A_289 = arith.constant 1 : i32
      %dma_wait3A_290 = arith.constant 0 : i32
      %dma_wait3A_291 = arith.constant 0 : i32
      %dma_wait3A_292 = tpu.memref_slice %arg6[%dma_wait3A_289, %dma_wait3A_290, %dma_wait3A_291] : memref<16x16x128xf32, #tpu.memory_space<vmem>> -> memref<1x16x128xf32, #tpu.memory_space<vmem>>
      %dma_wait3A_293 = tpu.memref_squeeze %dma_wait3A_292 : memref<1x16x128xf32, #tpu.memory_space<vmem>> -> memref<16x128xf32, #tpu.memory_space<vmem>>
      %dma_wait3A_294 = arith.constant 0 : i32
      %dma_wait3A_295 = tpu.memref_slice %arg3[%dma_wait3A_294, %multiple_of3A_32] : memref<16x1000000xf32, #tpu.memory_space<hbm>> -> memref<16x128xf32, #tpu.memory_space<hbm>>
      %dma_wait3A_296 = arith.constant 0 : i32
      %dma_wait3A_297 = arith.constant 0 : i32
      %dma_wait3A_298 = tpu.memref_slice %arg6[%dma_wait3A_289, %dma_wait3A_296, %dma_wait3A_297] : memref<16x16x128xf32, #tpu.memory_space<vmem>> -> memref<1x16x128xf32, #tpu.memory_space<vmem>>
      %dma_wait3A_299 = tpu.memref_squeeze %dma_wait3A_298 : memref<1x16x128xf32, #tpu.memory_space<vmem>> -> memref<16x128xf32, #tpu.memory_space<vmem>>
      %dma_wait3A_300 = arith.constant 0 : i32
      %dma_wait3A_301 = tpu.memref_slice %arg3[%dma_wait3A_300, %multiple_of3A_32] : memref<16x1000000xf32, #tpu.memory_space<hbm>> -> memref<16x128xf32, #tpu.memory_space<hbm>>
      tpu.wait_dma2 semaphore(%arg9 : memref<!tpu.dma_semaphore, #tpu.memory_space<semaphore_mem>>) src(%dma_wait3A_301 : memref<16x128xf32, #tpu.memory_space<hbm>>) dst(%dma_wait3A_299 : memref<16x128xf32, #tpu.memory_space<vmem>>)
      %broadcast_in_dim3A_302 = arith.constant 1 : i32
      %broadcast_in_dim3A_303 = vector.broadcast %broadcast_in_dim3A_302 : i32 to vector<16xi32>
      %slice3A_304 = vector.extract_strided_slice %sub3A {offsets = [1], sizes = [1], strides = [1]} : vector<16xi32> to vector<1xi32>
      %squeeze3A_305 = vector.extract %slice3A_304[0] : i32 from vector<1xi32>
      %broadcast_in_dim3A_306 = vector.broadcast %squeeze3A_305 : i32 to vector<16xi32>
      %gather3A_307 = tpu.vector_load_idx %arg6[%broadcast_in_dim3A_303, %iota3A, %broadcast_in_dim3A_306] : memref<16x16x128xf32, #tpu.memory_space<vmem>>[vector<16xi32>, vector<16xi32>, vector<16xi32>], vector<16xf32>,
      %add3A_308 = arith.constant 1 : i32
      %add3A_309 = arith.addi %mul3A_12, %add3A_308 : i32
      %broadcast_in_dim3A_310 = vector.broadcast %add3A_309 : i32 to vector<16xi32>
      tpu.vector_store_idx %arg7[%iota3A, %broadcast_in_dim3A_310], %gather3A_307 : memref<16x512xf32, #tpu.memory_space<vmem>>[vector<16xi32>, vector<16xi32>], vector<16xf32>,
      %dma_wait3A_311 = arith.constant 2 : i32
      %dma_wait3A_312 = arith.constant 0 : i32
      %dma_wait3A_313 = arith.constant 0 : i32
      %dma_wait3A_314 = tpu.memref_slice %arg6[%dma_wait3A_311, %dma_wait3A_312, %dma_wait3A_313] : memref<16x16x128xf32, #tpu.memory_space<vmem>> -> memref<1x16x128xf32, #tpu.memory_space<vmem>>
      %dma_wait3A_315 = tpu.memref_squeeze %dma_wait3A_314 : memref<1x16x128xf32, #tpu.memory_space<vmem>> -> memref<16x128xf32, #tpu.memory_space<vmem>>
      %dma_wait3A_316 = arith.constant 0 : i32
      %dma_wait3A_317 = tpu.memref_slice %arg3[%dma_wait3A_316, %multiple_of3A_48] : memref<16x1000000xf32, #tpu.memory_space<hbm>> -> memref<16x128xf32, #tpu.memory_space<hbm>>
      %dma_wait3A_318 = arith.constant 0 : i32
      %dma_wait3A_319 = arith.constant 0 : i32
      %dma_wait3A_320 = tpu.memref_slice %arg6[%dma_wait3A_311, %dma_wait3A_318, %dma_wait3A_319] : memref<16x16x128xf32, #tpu.memory_space<vmem>> -> memref<1x16x128xf32, #tpu.memory_space<vmem>>
      %dma_wait3A_321 = tpu.memref_squeeze %dma_wait3A_320 : memref<1x16x128xf32, #tpu.memory_space<vmem>> -> memref<16x128xf32, #tpu.memory_space<vmem>>
      %dma_wait3A_322 = arith.constant 0 : i32
      %dma_wait3A_323 = tpu.memref_slice %arg3[%dma_wait3A_322, %multiple_of3A_48] : memref<16x1000000xf32, #tpu.memory_space<hbm>> -> memref<16x128xf32, #tpu.memory_space<hbm>>
      tpu.wait_dma2 semaphore(%arg10 : memref<!tpu.dma_semaphore, #tpu.memory_space<semaphore_mem>>) src(%dma_wait3A_323 : memref<16x128xf32, #tpu.memory_space<hbm>>) dst(%dma_wait3A_321 : memref<16x128xf32, #tpu.memory_space<vmem>>)
      %broadcast_in_dim3A_324 = arith.constant 2 : i32
      %broadcast_in_dim3A_325 = vector.broadcast %broadcast_in_dim3A_324 : i32 to vector<16xi32>
      %slice3A_326 = vector.extract_strided_slice %sub3A {offsets = [2], sizes = [1], strides = [1]} : vector<16xi32> to vector<1xi32>
      %squeeze3A_327 = vector.extract %slice3A_326[0] : i32 from vector<1xi32>
      %broadcast_in_dim3A_328 = vector.broadcast %squeeze3A_327 : i32 to vector<16xi32>
      %gather3A_329 = tpu.vector_load_idx %arg6[%broadcast_in_dim3A_325, %iota3A, %broadcast_in_dim3A_328] : memref<16x16x128xf32, #tpu.memory_space<vmem>>[vector<16xi32>, vector<16xi32>, vector<16xi32>], vector<16xf32>,
      %add3A_330 = arith.constant 2 : i32
      %add3A_331 = arith.addi %mul3A_12, %add3A_330 : i32
      %broadcast_in_dim3A_332 = vector.broadcast %add3A_331 : i32 to vector<16xi32>
      tpu.vector_store_idx %arg7[%iota3A, %broadcast_in_dim3A_332], %gather3A_329 : memref<16x512xf32, #tpu.memory_space<vmem>>[vector<16xi32>, vector<16xi32>], vector<16xf32>,
      %dma_wait3A_333 = arith.constant 3 : i32
      %dma_wait3A_334 = arith.constant 0 : i32
      %dma_wait3A_335 = arith.constant 0 : i32
      %dma_wait3A_336 = tpu.memref_slice %arg6[%dma_wait3A_333, %dma_wait3A_334, %dma_wait3A_335] : memref<16x16x128xf32, #tpu.memory_space<vmem>> -> memref<1x16x128xf32, #tpu.memory_space<vmem>>
      %dma_wait3A_337 = tpu.memref_squeeze %dma_wait3A_336 : memref<1x16x128xf32, #tpu.memory_space<vmem>> -> memref<16x128xf32, #tpu.memory_space<vmem>>
      %dma_wait3A_338 = arith.constant 0 : i32
      %dma_wait3A_339 = tpu.memref_slice %arg3[%dma_wait3A_338, %multiple_of3A_64] : memref<16x1000000xf32, #tpu.memory_space<hbm>> -> memref<16x128xf32, #tpu.memory_space<hbm>>
      %dma_wait3A_340 = arith.constant 0 : i32
      %dma_wait3A_341 = arith.constant 0 : i32
      %dma_wait3A_342 = tpu.memref_slice %arg6[%dma_wait3A_333, %dma_wait3A_340, %dma_wait3A_341] : memref<16x16x128xf32, #tpu.memory_space<vmem>> -> memref<1x16x128xf32, #tpu.memory_space<vmem>>
      %dma_wait3A_343 = tpu.memref_squeeze %dma_wait3A_342 : memref<1x16x128xf32, #tpu.memory_space<vmem>> -> memref<16x128xf32, #tpu.memory_space<vmem>>
      %dma_wait3A_344 = arith.constant 0 : i32
      %dma_wait3A_345 = tpu.memref_slice %arg3[%dma_wait3A_344, %multiple_of3A_64] : memref<16x1000000xf32, #tpu.memory_space<hbm>> -> memref<16x128xf32, #tpu.memory_space<hbm>>
      tpu.wait_dma2 semaphore(%arg11 : memref<!tpu.dma_semaphore, #tpu.memory_space<semaphore_mem>>) src(%dma_wait3A_345 : memref<16x128xf32, #tpu.memory_space<hbm>>) dst(%dma_wait3A_343 : memref<16x128xf32, #tpu.memory_space<vmem>>)
      %broadcast_in_dim3A_346 = arith.constant 3 : i32
      %broadcast_in_dim3A_347 = vector.broadcast %broadcast_in_dim3A_346 : i32 to vector<16xi32>
      %slice3A_348 = vector.extract_strided_slice %sub3A {offsets = [3], sizes = [1], strides = [1]} : vector<16xi32> to vector<1xi32>
      %squeeze3A_349 = vector.extract %slice3A_348[0] : i32 from vector<1xi32>
      %broadcast_in_dim3A_350 = vector.broadcast %squeeze3A_349 : i32 to vector<16xi32>
      %gather3A_351 = tpu.vector_load_idx %arg6[%broadcast_in_dim3A_347, %iota3A, %broadcast_in_dim3A_350] : memref<16x16x128xf32, #tpu.memory_space<vmem>>[vector<16xi32>, vector<16xi32>, vector<16xi32>], vector<16xf32>,
      %add3A_352 = arith.constant 3 : i32
      %add3A_353 = arith.addi %mul3A_12, %add3A_352 : i32
      %broadcast_in_dim3A_354 = vector.broadcast %add3A_353 : i32 to vector<16xi32>
      tpu.vector_store_idx %arg7[%iota3A, %broadcast_in_dim3A_354], %gather3A_351 : memref<16x512xf32, #tpu.memory_space<vmem>>[vector<16xi32>, vector<16xi32>], vector<16xf32>,
      %dma_wait3A_355 = arith.constant 4 : i32
      %dma_wait3A_356 = arith.constant 0 : i32
      %dma_wait3A_357 = arith.constant 0 : i32
      %dma_wait3A_358 = tpu.memref_slice %arg6[%dma_wait3A_355, %dma_wait3A_356, %dma_wait3A_357] : memref<16x16x128xf32, #tpu.memory_space<vmem>> -> memref<1x16x128xf32, #tpu.memory_space<vmem>>
      %dma_wait3A_359 = tpu.memref_squeeze %dma_wait3A_358 : memref<1x16x128xf32, #tpu.memory_space<vmem>> -> memref<16x128xf32, #tpu.memory_space<vmem>>
      %dma_wait3A_360 = arith.constant 0 : i32
      %dma_wait3A_361 = tpu.memref_slice %arg3[%dma_wait3A_360, %multiple_of3A_80] : memref<16x1000000xf32, #tpu.memory_space<hbm>> -> memref<16x128xf32, #tpu.memory_space<hbm>>
      %dma_wait3A_362 = arith.constant 0 : i32
      %dma_wait3A_363 = arith.constant 0 : i32
      %dma_wait3A_364 = tpu.memref_slice %arg6[%dma_wait3A_355, %dma_wait3A_362, %dma_wait3A_363] : memref<16x16x128xf32, #tpu.memory_space<vmem>> -> memref<1x16x128xf32, #tpu.memory_space<vmem>>
      %dma_wait3A_365 = tpu.memref_squeeze %dma_wait3A_364 : memref<1x16x128xf32, #tpu.memory_space<vmem>> -> memref<16x128xf32, #tpu.memory_space<vmem>>
      %dma_wait3A_366 = arith.constant 0 : i32
      %dma_wait3A_367 = tpu.memref_slice %arg3[%dma_wait3A_366, %multiple_of3A_80] : memref<16x1000000xf32, #tpu.memory_space<hbm>> -> memref<16x128xf32, #tpu.memory_space<hbm>>
      tpu.wait_dma2 semaphore(%arg12 : memref<!tpu.dma_semaphore, #tpu.memory_space<semaphore_mem>>) src(%dma_wait3A_367 : memref<16x128xf32, #tpu.memory_space<hbm>>) dst(%dma_wait3A_365 : memref<16x128xf32, #tpu.memory_space<vmem>>)
      %broadcast_in_dim3A_368 = arith.constant 4 : i32
      %broadcast_in_dim3A_369 = vector.broadcast %broadcast_in_dim3A_368 : i32 to vector<16xi32>
      %slice3A_370 = vector.extract_strided_slice %sub3A {offsets = [4], sizes = [1], strides = [1]} : vector<16xi32> to vector<1xi32>
      %squeeze3A_371 = vector.extract %slice3A_370[0] : i32 from vector<1xi32>
      %broadcast_in_dim3A_372 = vector.broadcast %squeeze3A_371 : i32 to vector<16xi32>
      %gather3A_373 = tpu.vector_load_idx %arg6[%broadcast_in_dim3A_369, %iota3A, %broadcast_in_dim3A_372] : memref<16x16x128xf32, #tpu.memory_space<vmem>>[vector<16xi32>, vector<16xi32>, vector<16xi32>], vector<16xf32>,
      %add3A_374 = arith.constant 4 : i32
      %add3A_375 = arith.addi %mul3A_12, %add3A_374 : i32
      %broadcast_in_dim3A_376 = vector.broadcast %add3A_375 : i32 to vector<16xi32>
      tpu.vector_store_idx %arg7[%iota3A, %broadcast_in_dim3A_376], %gather3A_373 : memref<16x512xf32, #tpu.memory_space<vmem>>[vector<16xi32>, vector<16xi32>], vector<16xf32>,
      %dma_wait3A_377 = arith.constant 5 : i32
      %dma_wait3A_378 = arith.constant 0 : i32
      %dma_wait3A_379 = arith.constant 0 : i32
      %dma_wait3A_380 = tpu.memref_slice %arg6[%dma_wait3A_377, %dma_wait3A_378, %dma_wait3A_379] : memref<16x16x128xf32, #tpu.memory_space<vmem>> -> memref<1x16x128xf32, #tpu.memory_space<vmem>>
      %dma_wait3A_381 = tpu.memref_squeeze %dma_wait3A_380 : memref<1x16x128xf32, #tpu.memory_space<vmem>> -> memref<16x128xf32, #tpu.memory_space<vmem>>
      %dma_wait3A_382 = arith.constant 0 : i32
      %dma_wait3A_383 = tpu.memref_slice %arg3[%dma_wait3A_382, %multiple_of3A_96] : memref<16x1000000xf32, #tpu.memory_space<hbm>> -> memref<16x128xf32, #tpu.memory_space<hbm>>
      %dma_wait3A_384 = arith.constant 0 : i32
      %dma_wait3A_385 = arith.constant 0 : i32
      %dma_wait3A_386 = tpu.memref_slice %arg6[%dma_wait3A_377, %dma_wait3A_384, %dma_wait3A_385] : memref<16x16x128xf32, #tpu.memory_space<vmem>> -> memref<1x16x128xf32, #tpu.memory_space<vmem>>
      %dma_wait3A_387 = tpu.memref_squeeze %dma_wait3A_386 : memref<1x16x128xf32, #tpu.memory_space<vmem>> -> memref<16x128xf32, #tpu.memory_space<vmem>>
      %dma_wait3A_388 = arith.constant 0 : i32
      %dma_wait3A_389 = tpu.memref_slice %arg3[%dma_wait3A_388, %multiple_of3A_96] : memref<16x1000000xf32, #tpu.memory_space<hbm>> -> memref<16x128xf32, #tpu.memory_space<hbm>>
      tpu.wait_dma2 semaphore(%arg13 : memref<!tpu.dma_semaphore, #tpu.memory_space<semaphore_mem>>) src(%dma_wait3A_389 : memref<16x128xf32, #tpu.memory_space<hbm>>) dst(%dma_wait3A_387 : memref<16x128xf32, #tpu.memory_space<vmem>>)
      %broadcast_in_dim3A_390 = arith.constant 5 : i32
      %broadcast_in_dim3A_391 = vector.broadcast %broadcast_in_dim3A_390 : i32 to vector<16xi32>
      %slice3A_392 = vector.extract_strided_slice %sub3A {offsets = [5], sizes = [1], strides = [1]} : vector<16xi32> to vector<1xi32>
      %squeeze3A_393 = vector.extract %slice3A_392[0] : i32 from vector<1xi32>
      %broadcast_in_dim3A_394 = vector.broadcast %squeeze3A_393 : i32 to vector<16xi32>
      %gather3A_395 = tpu.vector_load_idx %arg6[%broadcast_in_dim3A_391, %iota3A, %broadcast_in_dim3A_394] : memref<16x16x128xf32, #tpu.memory_space<vmem>>[vector<16xi32>, vector<16xi32>, vector<16xi32>], vector<16xf32>,
      %add3A_396 = arith.constant 5 : i32
      %add3A_397 = arith.addi %mul3A_12, %add3A_396 : i32
      %broadcast_in_dim3A_398 = vector.broadcast %add3A_397 : i32 to vector<16xi32>
      tpu.vector_store_idx %arg7[%iota3A, %broadcast_in_dim3A_398], %gather3A_395 : memref<16x512xf32, #tpu.memory_space<vmem>>[vector<16xi32>, vector<16xi32>], vector<16xf32>,
      %dma_wait3A_399 = arith.constant 6 : i32
      %dma_wait3A_400 = arith.constant 0 : i32
      %dma_wait3A_401 = arith.constant 0 : i32
      %dma_wait3A_402 = tpu.memref_slice %arg6[%dma_wait3A_399, %dma_wait3A_400, %dma_wait3A_401] : memref<16x16x128xf32, #tpu.memory_space<vmem>> -> memref<1x16x128xf32, #tpu.memory_space<vmem>>
      %dma_wait3A_403 = tpu.memref_squeeze %dma_wait3A_402 : memref<1x16x128xf32, #tpu.memory_space<vmem>> -> memref<16x128xf32, #tpu.memory_space<vmem>>
      %dma_wait3A_404 = arith.constant 0 : i32
      %dma_wait3A_405 = tpu.memref_slice %arg3[%dma_wait3A_404, %multiple_of3A_112] : memref<16x1000000xf32, #tpu.memory_space<hbm>> -> memref<16x128xf32, #tpu.memory_space<hbm>>
      %dma_wait3A_406 = arith.constant 0 : i32
      %dma_wait3A_407 = arith.constant 0 : i32
      %dma_wait3A_408 = tpu.memref_slice %arg6[%dma_wait3A_399, %dma_wait3A_406, %dma_wait3A_407] : memref<16x16x128xf32, #tpu.memory_space<vmem>> -> memref<1x16x128xf32, #tpu.memory_space<vmem>>
      %dma_wait3A_409 = tpu.memref_squeeze %dma_wait3A_408 : memref<1x16x128xf32, #tpu.memory_space<vmem>> -> memref<16x128xf32, #tpu.memory_space<vmem>>
      %dma_wait3A_410 = arith.constant 0 : i32
      %dma_wait3A_411 = tpu.memref_slice %arg3[%dma_wait3A_410, %multiple_of3A_112] : memref<16x1000000xf32, #tpu.memory_space<hbm>> -> memref<16x128xf32, #tpu.memory_space<hbm>>
      tpu.wait_dma2 semaphore(%arg14 : memref<!tpu.dma_semaphore, #tpu.memory_space<semaphore_mem>>) src(%dma_wait3A_411 : memref<16x128xf32, #tpu.memory_space<hbm>>) dst(%dma_wait3A_409 : memref<16x128xf32, #tpu.memory_space<vmem>>)
      %broadcast_in_dim3A_412 = arith.constant 6 : i32
      %broadcast_in_dim3A_413 = vector.broadcast %broadcast_in_dim3A_412 : i32 to vector<16xi32>
      %slice3A_414 = vector.extract_strided_slice %sub3A {offsets = [6], sizes = [1], strides = [1]} : vector<16xi32> to vector<1xi32>
      %squeeze3A_415 = vector.extract %slice3A_414[0] : i32 from vector<1xi32>
      %broadcast_in_dim3A_416 = vector.broadcast %squeeze3A_415 : i32 to vector<16xi32>
      %gather3A_417 = tpu.vector_load_idx %arg6[%broadcast_in_dim3A_413, %iota3A, %broadcast_in_dim3A_416] : memref<16x16x128xf32, #tpu.memory_space<vmem>>[vector<16xi32>, vector<16xi32>, vector<16xi32>], vector<16xf32>,
      %add3A_418 = arith.constant 6 : i32
      %add3A_419 = arith.addi %mul3A_12, %add3A_418 : i32
      %broadcast_in_dim3A_420 = vector.broadcast %add3A_419 : i32 to vector<16xi32>
      tpu.vector_store_idx %arg7[%iota3A, %broadcast_in_dim3A_420], %gather3A_417 : memref<16x512xf32, #tpu.memory_space<vmem>>[vector<16xi32>, vector<16xi32>], vector<16xf32>,
      %dma_wait3A_421 = arith.constant 7 : i32
      %dma_wait3A_422 = arith.constant 0 : i32
      %dma_wait3A_423 = arith.constant 0 : i32
      %dma_wait3A_424 = tpu.memref_slice %arg6[%dma_wait3A_421, %dma_wait3A_422, %dma_wait3A_423] : memref<16x16x128xf32, #tpu.memory_space<vmem>> -> memref<1x16x128xf32, #tpu.memory_space<vmem>>
      %dma_wait3A_425 = tpu.memref_squeeze %dma_wait3A_424 : memref<1x16x128xf32, #tpu.memory_space<vmem>> -> memref<16x128xf32, #tpu.memory_space<vmem>>
      %dma_wait3A_426 = arith.constant 0 : i32
      %dma_wait3A_427 = tpu.memref_slice %arg3[%dma_wait3A_426, %multiple_of3A_128] : memref<16x1000000xf32, #tpu.memory_space<hbm>> -> memref<16x128xf32, #tpu.memory_space<hbm>>
      %dma_wait3A_428 = arith.constant 0 : i32
      %dma_wait3A_429 = arith.constant 0 : i32
      %dma_wait3A_430 = tpu.memref_slice %arg6[%dma_wait3A_421, %dma_wait3A_428, %dma_wait3A_429] : memref<16x16x128xf32, #tpu.memory_space<vmem>> -> memref<1x16x128xf32, #tpu.memory_space<vmem>>
      %dma_wait3A_431 = tpu.memref_squeeze %dma_wait3A_430 : memref<1x16x128xf32, #tpu.memory_space<vmem>> -> memref<16x128xf32, #tpu.memory_space<vmem>>
      %dma_wait3A_432 = arith.constant 0 : i32
      %dma_wait3A_433 = tpu.memref_slice %arg3[%dma_wait3A_432, %multiple_of3A_128] : memref<16x1000000xf32, #tpu.memory_space<hbm>> -> memref<16x128xf32, #tpu.memory_space<hbm>>
      tpu.wait_dma2 semaphore(%arg15 : memref<!tpu.dma_semaphore, #tpu.memory_space<semaphore_mem>>) src(%dma_wait3A_433 : memref<16x128xf32, #tpu.memory_space<hbm>>) dst(%dma_wait3A_431 : memref<16x128xf32, #tpu.memory_space<vmem>>)
      %broadcast_in_dim3A_434 = arith.constant 7 : i32
      %broadcast_in_dim3A_435 = vector.broadcast %broadcast_in_dim3A_434 : i32 to vector<16xi32>
      %slice3A_436 = vector.extract_strided_slice %sub3A {offsets = [7], sizes = [1], strides = [1]} : vector<16xi32> to vector<1xi32>
      %squeeze3A_437 = vector.extract %slice3A_436[0] : i32 from vector<1xi32>
      %broadcast_in_dim3A_438 = vector.broadcast %squeeze3A_437 : i32 to vector<16xi32>
      %gather3A_439 = tpu.vector_load_idx %arg6[%broadcast_in_dim3A_435, %iota3A, %broadcast_in_dim3A_438] : memref<16x16x128xf32, #tpu.memory_space<vmem>>[vector<16xi32>, vector<16xi32>, vector<16xi32>], vector<16xf32>,
      %add3A_440 = arith.constant 7 : i32
      %add3A_441 = arith.addi %mul3A_12, %add3A_440 : i32
      %broadcast_in_dim3A_442 = vector.broadcast %add3A_441 : i32 to vector<16xi32>
      tpu.vector_store_idx %arg7[%iota3A, %broadcast_in_dim3A_442], %gather3A_439 : memref<16x512xf32, #tpu.memory_space<vmem>>[vector<16xi32>, vector<16xi32>], vector<16xf32>,
      %dma_wait3A_443 = arith.constant 8 : i32
      %dma_wait3A_444 = arith.constant 0 : i32
      %dma_wait3A_445 = arith.constant 0 : i32
      %dma_wait3A_446 = tpu.memref_slice %arg6[%dma_wait3A_443, %dma_wait3A_444, %dma_wait3A_445] : memref<16x16x128xf32, #tpu.memory_space<vmem>> -> memref<1x16x128xf32, #tpu.memory_space<vmem>>
      %dma_wait3A_447 = tpu.memref_squeeze %dma_wait3A_446 : memref<1x16x128xf32, #tpu.memory_space<vmem>> -> memref<16x128xf32, #tpu.memory_space<vmem>>
      %dma_wait3A_448 = arith.constant 0 : i32
      %dma_wait3A_449 = tpu.memref_slice %arg3[%dma_wait3A_448, %multiple_of3A_144] : memref<16x1000000xf32, #tpu.memory_space<hbm>> -> memref<16x128xf32, #tpu.memory_space<hbm>>
      %dma_wait3A_450 = arith.constant 0 : i32
      %dma_wait3A_451 = arith.constant 0 : i32
      %dma_wait3A_452 = tpu.memref_slice %arg6[%dma_wait3A_443, %dma_wait3A_450, %dma_wait3A_451] : memref<16x16x128xf32, #tpu.memory_space<vmem>> -> memref<1x16x128xf32, #tpu.memory_space<vmem>>
      %dma_wait3A_453 = tpu.memref_squeeze %dma_wait3A_452 : memref<1x16x128xf32, #tpu.memory_space<vmem>> -> memref<16x128xf32, #tpu.memory_space<vmem>>
      %dma_wait3A_454 = arith.constant 0 : i32
      %dma_wait3A_455 = tpu.memref_slice %arg3[%dma_wait3A_454, %multiple_of3A_144] : memref<16x1000000xf32, #tpu.memory_space<hbm>> -> memref<16x128xf32, #tpu.memory_space<hbm>>
      tpu.wait_dma2 semaphore(%arg16 : memref<!tpu.dma_semaphore, #tpu.memory_space<semaphore_mem>>) src(%dma_wait3A_455 : memref<16x128xf32, #tpu.memory_space<hbm>>) dst(%dma_wait3A_453 : memref<16x128xf32, #tpu.memory_space<vmem>>)
      %broadcast_in_dim3A_456 = arith.constant 8 : i32
      %broadcast_in_dim3A_457 = vector.broadcast %broadcast_in_dim3A_456 : i32 to vector<16xi32>
      %slice3A_458 = vector.extract_strided_slice %sub3A {offsets = [8], sizes = [1], strides = [1]} : vector<16xi32> to vector<1xi32>
      %squeeze3A_459 = vector.extract %slice3A_458[0] : i32 from vector<1xi32>
      %broadcast_in_dim3A_460 = vector.broadcast %squeeze3A_459 : i32 to vector<16xi32>
      %gather3A_461 = tpu.vector_load_idx %arg6[%broadcast_in_dim3A_457, %iota3A, %broadcast_in_dim3A_460] : memref<16x16x128xf32, #tpu.memory_space<vmem>>[vector<16xi32>, vector<16xi32>, vector<16xi32>], vector<16xf32>,
      %add3A_462 = arith.constant 8 : i32
      %add3A_463 = arith.addi %mul3A_12, %add3A_462 : i32
      %broadcast_in_dim3A_464 = vector.broadcast %add3A_463 : i32 to vector<16xi32>
      tpu.vector_store_idx %arg7[%iota3A, %broadcast_in_dim3A_464], %gather3A_461 : memref<16x512xf32, #tpu.memory_space<vmem>>[vector<16xi32>, vector<16xi32>], vector<16xf32>,
      %dma_wait3A_465 = arith.constant 9 : i32
      %dma_wait3A_466 = arith.constant 0 : i32
      %dma_wait3A_467 = arith.constant 0 : i32
      %dma_wait3A_468 = tpu.memref_slice %arg6[%dma_wait3A_465, %dma_wait3A_466, %dma_wait3A_467] : memref<16x16x128xf32, #tpu.memory_space<vmem>> -> memref<1x16x128xf32, #tpu.memory_space<vmem>>
      %dma_wait3A_469 = tpu.memref_squeeze %dma_wait3A_468 : memref<1x16x128xf32, #tpu.memory_space<vmem>> -> memref<16x128xf32, #tpu.memory_space<vmem>>
      %dma_wait3A_470 = arith.constant 0 : i32
      %dma_wait3A_471 = tpu.memref_slice %arg3[%dma_wait3A_470, %multiple_of3A_160] : memref<16x1000000xf32, #tpu.memory_space<hbm>> -> memref<16x128xf32, #tpu.memory_space<hbm>>
      %dma_wait3A_472 = arith.constant 0 : i32
      %dma_wait3A_473 = arith.constant 0 : i32
      %dma_wait3A_474 = tpu.memref_slice %arg6[%dma_wait3A_465, %dma_wait3A_472, %dma_wait3A_473] : memref<16x16x128xf32, #tpu.memory_space<vmem>> -> memref<1x16x128xf32, #tpu.memory_space<vmem>>
      %dma_wait3A_475 = tpu.memref_squeeze %dma_wait3A_474 : memref<1x16x128xf32, #tpu.memory_space<vmem>> -> memref<16x128xf32, #tpu.memory_space<vmem>>
      %dma_wait3A_476 = arith.constant 0 : i32
      %dma_wait3A_477 = tpu.memref_slice %arg3[%dma_wait3A_476, %multiple_of3A_160] : memref<16x1000000xf32, #tpu.memory_space<hbm>> -> memref<16x128xf32, #tpu.memory_space<hbm>>
      tpu.wait_dma2 semaphore(%arg17 : memref<!tpu.dma_semaphore, #tpu.memory_space<semaphore_mem>>) src(%dma_wait3A_477 : memref<16x128xf32, #tpu.memory_space<hbm>>) dst(%dma_wait3A_475 : memref<16x128xf32, #tpu.memory_space<vmem>>)
      %broadcast_in_dim3A_478 = arith.constant 9 : i32
      %broadcast_in_dim3A_479 = vector.broadcast %broadcast_in_dim3A_478 : i32 to vector<16xi32>
      %slice3A_480 = vector.extract_strided_slice %sub3A {offsets = [9], sizes = [1], strides = [1]} : vector<16xi32> to vector<1xi32>
      %squeeze3A_481 = vector.extract %slice3A_480[0] : i32 from vector<1xi32>
      %broadcast_in_dim3A_482 = vector.broadcast %squeeze3A_481 : i32 to vector<16xi32>
      %gather3A_483 = tpu.vector_load_idx %arg6[%broadcast_in_dim3A_479, %iota3A, %broadcast_in_dim3A_482] : memref<16x16x128xf32, #tpu.memory_space<vmem>>[vector<16xi32>, vector<16xi32>, vector<16xi32>], vector<16xf32>,
      %add3A_484 = arith.constant 9 : i32
      %add3A_485 = arith.addi %mul3A_12, %add3A_484 : i32
      %broadcast_in_dim3A_486 = vector.broadcast %add3A_485 : i32 to vector<16xi32>
      tpu.vector_store_idx %arg7[%iota3A, %broadcast_in_dim3A_486], %gather3A_483 : memref<16x512xf32, #tpu.memory_space<vmem>>[vector<16xi32>, vector<16xi32>], vector<16xf32>,
      %dma_wait3A_487 = arith.constant 10 : i32
      %dma_wait3A_488 = arith.constant 0 : i32
      %dma_wait3A_489 = arith.constant 0 : i32
      %dma_wait3A_490 = tpu.memref_slice %arg6[%dma_wait3A_487, %dma_wait3A_488, %dma_wait3A_489] : memref<16x16x128xf32, #tpu.memory_space<vmem>> -> memref<1x16x128xf32, #tpu.memory_space<vmem>>
      %dma_wait3A_491 = tpu.memref_squeeze %dma_wait3A_490 : memref<1x16x128xf32, #tpu.memory_space<vmem>> -> memref<16x128xf32, #tpu.memory_space<vmem>>
      %dma_wait3A_492 = arith.constant 0 : i32
      %dma_wait3A_493 = tpu.memref_slice %arg3[%dma_wait3A_492, %multiple_of3A_176] : memref<16x1000000xf32, #tpu.memory_space<hbm>> -> memref<16x128xf32, #tpu.memory_space<hbm>>
      %dma_wait3A_494 = arith.constant 0 : i32
      %dma_wait3A_495 = arith.constant 0 : i32
      %dma_wait3A_496 = tpu.memref_slice %arg6[%dma_wait3A_487, %dma_wait3A_494, %dma_wait3A_495] : memref<16x16x128xf32, #tpu.memory_space<vmem>> -> memref<1x16x128xf32, #tpu.memory_space<vmem>>
      %dma_wait3A_497 = tpu.memref_squeeze %dma_wait3A_496 : memref<1x16x128xf32, #tpu.memory_space<vmem>> -> memref<16x128xf32, #tpu.memory_space<vmem>>
      %dma_wait3A_498 = arith.constant 0 : i32
      %dma_wait3A_499 = tpu.memref_slice %arg3[%dma_wait3A_498, %multiple_of3A_176] : memref<16x1000000xf32, #tpu.memory_space<hbm>> -> memref<16x128xf32, #tpu.memory_space<hbm>>
      tpu.wait_dma2 semaphore(%arg18 : memref<!tpu.dma_semaphore, #tpu.memory_space<semaphore_mem>>) src(%dma_wait3A_499 : memref<16x128xf32, #tpu.memory_space<hbm>>) dst(%dma_wait3A_497 : memref<16x128xf32, #tpu.memory_space<vmem>>)
      %broadcast_in_dim3A_500 = arith.constant 10 : i32
      %broadcast_in_dim3A_501 = vector.broadcast %broadcast_in_dim3A_500 : i32 to vector<16xi32>
      %slice3A_502 = vector.extract_strided_slice %sub3A {offsets = [10], sizes = [1], strides = [1]} : vector<16xi32> to vector<1xi32>
      %squeeze3A_503 = vector.extract %slice3A_502[0] : i32 from vector<1xi32>
      %broadcast_in_dim3A_504 = vector.broadcast %squeeze3A_503 : i32 to vector<16xi32>
      %gather3A_505 = tpu.vector_load_idx %arg6[%broadcast_in_dim3A_501, %iota3A, %broadcast_in_dim3A_504] : memref<16x16x128xf32, #tpu.memory_space<vmem>>[vector<16xi32>, vector<16xi32>, vector<16xi32>], vector<16xf32>,
      %add3A_506 = arith.constant 10 : i32
      %add3A_507 = arith.addi %mul3A_12, %add3A_506 : i32
      %broadcast_in_dim3A_508 = vector.broadcast %add3A_507 : i32 to vector<16xi32>
      tpu.vector_store_idx %arg7[%iota3A, %broadcast_in_dim3A_508], %gather3A_505 : memref<16x512xf32, #tpu.memory_space<vmem>>[vector<16xi32>, vector<16xi32>], vector<16xf32>,
      %dma_wait3A_509 = arith.constant 11 : i32
      %dma_wait3A_510 = arith.constant 0 : i32
      %dma_wait3A_511 = arith.constant 0 : i32
      %dma_wait3A_512 = tpu.memref_slice %arg6[%dma_wait3A_509, %dma_wait3A_510, %dma_wait3A_511] : memref<16x16x128xf32, #tpu.memory_space<vmem>> -> memref<1x16x128xf32, #tpu.memory_space<vmem>>
      %dma_wait3A_513 = tpu.memref_squeeze %dma_wait3A_512 : memref<1x16x128xf32, #tpu.memory_space<vmem>> -> memref<16x128xf32, #tpu.memory_space<vmem>>
      %dma_wait3A_514 = arith.constant 0 : i32
      %dma_wait3A_515 = tpu.memref_slice %arg3[%dma_wait3A_514, %multiple_of3A_192] : memref<16x1000000xf32, #tpu.memory_space<hbm>> -> memref<16x128xf32, #tpu.memory_space<hbm>>
      %dma_wait3A_516 = arith.constant 0 : i32
      %dma_wait3A_517 = arith.constant 0 : i32
      %dma_wait3A_518 = tpu.memref_slice %arg6[%dma_wait3A_509, %dma_wait3A_516, %dma_wait3A_517] : memref<16x16x128xf32, #tpu.memory_space<vmem>> -> memref<1x16x128xf32, #tpu.memory_space<vmem>>
      %dma_wait3A_519 = tpu.memref_squeeze %dma_wait3A_518 : memref<1x16x128xf32, #tpu.memory_space<vmem>> -> memref<16x128xf32, #tpu.memory_space<vmem>>
      %dma_wait3A_520 = arith.constant 0 : i32
      %dma_wait3A_521 = tpu.memref_slice %arg3[%dma_wait3A_520, %multiple_of3A_192] : memref<16x1000000xf32, #tpu.memory_space<hbm>> -> memref<16x128xf32, #tpu.memory_space<hbm>>
      tpu.wait_dma2 semaphore(%arg19 : memref<!tpu.dma_semaphore, #tpu.memory_space<semaphore_mem>>) src(%dma_wait3A_521 : memref<16x128xf32, #tpu.memory_space<hbm>>) dst(%dma_wait3A_519 : memref<16x128xf32, #tpu.memory_space<vmem>>)
      %broadcast_in_dim3A_522 = arith.constant 11 : i32
      %broadcast_in_dim3A_523 = vector.broadcast %broadcast_in_dim3A_522 : i32 to vector<16xi32>
      %slice3A_524 = vector.extract_strided_slice %sub3A {offsets = [11], sizes = [1], strides = [1]} : vector<16xi32> to vector<1xi32>
      %squeeze3A_525 = vector.extract %slice3A_524[0] : i32 from vector<1xi32>
      %broadcast_in_dim3A_526 = vector.broadcast %squeeze3A_525 : i32 to vector<16xi32>
      %gather3A_527 = tpu.vector_load_idx %arg6[%broadcast_in_dim3A_523, %iota3A, %broadcast_in_dim3A_526] : memref<16x16x128xf32, #tpu.memory_space<vmem>>[vector<16xi32>, vector<16xi32>, vector<16xi32>], vector<16xf32>,
      %add3A_528 = arith.constant 11 : i32
      %add3A_529 = arith.addi %mul3A_12, %add3A_528 : i32
      %broadcast_in_dim3A_530 = vector.broadcast %add3A_529 : i32 to vector<16xi32>
      tpu.vector_store_idx %arg7[%iota3A, %broadcast_in_dim3A_530], %gather3A_527 : memref<16x512xf32, #tpu.memory_space<vmem>>[vector<16xi32>, vector<16xi32>], vector<16xf32>,
      %dma_wait3A_531 = arith.constant 12 : i32
      %dma_wait3A_532 = arith.constant 0 : i32
      %dma_wait3A_533 = arith.constant 0 : i32
      %dma_wait3A_534 = tpu.memref_slice %arg6[%dma_wait3A_531, %dma_wait3A_532, %dma_wait3A_533] : memref<16x16x128xf32, #tpu.memory_space<vmem>> -> memref<1x16x128xf32, #tpu.memory_space<vmem>>
      %dma_wait3A_535 = tpu.memref_squeeze %dma_wait3A_534 : memref<1x16x128xf32, #tpu.memory_space<vmem>> -> memref<16x128xf32, #tpu.memory_space<vmem>>
      %dma_wait3A_536 = arith.constant 0 : i32
      %dma_wait3A_537 = tpu.memref_slice %arg3[%dma_wait3A_536, %multiple_of3A_208] : memref<16x1000000xf32, #tpu.memory_space<hbm>> -> memref<16x128xf32, #tpu.memory_space<hbm>>
      %dma_wait3A_538 = arith.constant 0 : i32
      %dma_wait3A_539 = arith.constant 0 : i32
      %dma_wait3A_540 = tpu.memref_slice %arg6[%dma_wait3A_531, %dma_wait3A_538, %dma_wait3A_539] : memref<16x16x128xf32, #tpu.memory_space<vmem>> -> memref<1x16x128xf32, #tpu.memory_space<vmem>>
      %dma_wait3A_541 = tpu.memref_squeeze %dma_wait3A_540 : memref<1x16x128xf32, #tpu.memory_space<vmem>> -> memref<16x128xf32, #tpu.memory_space<vmem>>
      %dma_wait3A_542 = arith.constant 0 : i32
      %dma_wait3A_543 = tpu.memref_slice %arg3[%dma_wait3A_542, %multiple_of3A_208] : memref<16x1000000xf32, #tpu.memory_space<hbm>> -> memref<16x128xf32, #tpu.memory_space<hbm>>
      tpu.wait_dma2 semaphore(%arg20 : memref<!tpu.dma_semaphore, #tpu.memory_space<semaphore_mem>>) src(%dma_wait3A_543 : memref<16x128xf32, #tpu.memory_space<hbm>>) dst(%dma_wait3A_541 : memref<16x128xf32, #tpu.memory_space<vmem>>)
      %broadcast_in_dim3A_544 = arith.constant 12 : i32
      %broadcast_in_dim3A_545 = vector.broadcast %broadcast_in_dim3A_544 : i32 to vector<16xi32>
      %slice3A_546 = vector.extract_strided_slice %sub3A {offsets = [12], sizes = [1], strides = [1]} : vector<16xi32> to vector<1xi32>
      %squeeze3A_547 = vector.extract %slice3A_546[0] : i32 from vector<1xi32>
      %broadcast_in_dim3A_548 = vector.broadcast %squeeze3A_547 : i32 to vector<16xi32>
      %gather3A_549 = tpu.vector_load_idx %arg6[%broadcast_in_dim3A_545, %iota3A, %broadcast_in_dim3A_548] : memref<16x16x128xf32, #tpu.memory_space<vmem>>[vector<16xi32>, vector<16xi32>, vector<16xi32>], vector<16xf32>,
      %add3A_550 = arith.constant 12 : i32
      %add3A_551 = arith.addi %mul3A_12, %add3A_550 : i32
      %broadcast_in_dim3A_552 = vector.broadcast %add3A_551 : i32 to vector<16xi32>
      tpu.vector_store_idx %arg7[%iota3A, %broadcast_in_dim3A_552], %gather3A_549 : memref<16x512xf32, #tpu.memory_space<vmem>>[vector<16xi32>, vector<16xi32>], vector<16xf32>,
      %dma_wait3A_553 = arith.constant 13 : i32
      %dma_wait3A_554 = arith.constant 0 : i32
      %dma_wait3A_555 = arith.constant 0 : i32
      %dma_wait3A_556 = tpu.memref_slice %arg6[%dma_wait3A_553, %dma_wait3A_554, %dma_wait3A_555] : memref<16x16x128xf32, #tpu.memory_space<vmem>> -> memref<1x16x128xf32, #tpu.memory_space<vmem>>
      %dma_wait3A_557 = tpu.memref_squeeze %dma_wait3A_556 : memref<1x16x128xf32, #tpu.memory_space<vmem>> -> memref<16x128xf32, #tpu.memory_space<vmem>>
      %dma_wait3A_558 = arith.constant 0 : i32
      %dma_wait3A_559 = tpu.memref_slice %arg3[%dma_wait3A_558, %multiple_of3A_224] : memref<16x1000000xf32, #tpu.memory_space<hbm>> -> memref<16x128xf32, #tpu.memory_space<hbm>>
      %dma_wait3A_560 = arith.constant 0 : i32
      %dma_wait3A_561 = arith.constant 0 : i32
      %dma_wait3A_562 = tpu.memref_slice %arg6[%dma_wait3A_553, %dma_wait3A_560, %dma_wait3A_561] : memref<16x16x128xf32, #tpu.memory_space<vmem>> -> memref<1x16x128xf32, #tpu.memory_space<vmem>>
      %dma_wait3A_563 = tpu.memref_squeeze %dma_wait3A_562 : memref<1x16x128xf32, #tpu.memory_space<vmem>> -> memref<16x128xf32, #tpu.memory_space<vmem>>
      %dma_wait3A_564 = arith.constant 0 : i32
      %dma_wait3A_565 = tpu.memref_slice %arg3[%dma_wait3A_564, %multiple_of3A_224] : memref<16x1000000xf32, #tpu.memory_space<hbm>> -> memref<16x128xf32, #tpu.memory_space<hbm>>
      tpu.wait_dma2 semaphore(%arg21 : memref<!tpu.dma_semaphore, #tpu.memory_space<semaphore_mem>>) src(%dma_wait3A_565 : memref<16x128xf32, #tpu.memory_space<hbm>>) dst(%dma_wait3A_563 : memref<16x128xf32, #tpu.memory_space<vmem>>)
      %broadcast_in_dim3A_566 = arith.constant 13 : i32
      %broadcast_in_dim3A_567 = vector.broadcast %broadcast_in_dim3A_566 : i32 to vector<16xi32>
      %slice3A_568 = vector.extract_strided_slice %sub3A {offsets = [13], sizes = [1], strides = [1]} : vector<16xi32> to vector<1xi32>
      %squeeze3A_569 = vector.extract %slice3A_568[0] : i32 from vector<1xi32>
      %broadcast_in_dim3A_570 = vector.broadcast %squeeze3A_569 : i32 to vector<16xi32>
      %gather3A_571 = tpu.vector_load_idx %arg6[%broadcast_in_dim3A_567, %iota3A, %broadcast_in_dim3A_570] : memref<16x16x128xf32, #tpu.memory_space<vmem>>[vector<16xi32>, vector<16xi32>, vector<16xi32>], vector<16xf32>,
      %add3A_572 = arith.constant 13 : i32
      %add3A_573 = arith.addi %mul3A_12, %add3A_572 : i32
      %broadcast_in_dim3A_574 = vector.broadcast %add3A_573 : i32 to vector<16xi32>
      tpu.vector_store_idx %arg7[%iota3A, %broadcast_in_dim3A_574], %gather3A_571 : memref<16x512xf32, #tpu.memory_space<vmem>>[vector<16xi32>, vector<16xi32>], vector<16xf32>,
      %dma_wait3A_575 = arith.constant 14 : i32
      %dma_wait3A_576 = arith.constant 0 : i32
      %dma_wait3A_577 = arith.constant 0 : i32
      %dma_wait3A_578 = tpu.memref_slice %arg6[%dma_wait3A_575, %dma_wait3A_576, %dma_wait3A_577] : memref<16x16x128xf32, #tpu.memory_space<vmem>> -> memref<1x16x128xf32, #tpu.memory_space<vmem>>
      %dma_wait3A_579 = tpu.memref_squeeze %dma_wait3A_578 : memref<1x16x128xf32, #tpu.memory_space<vmem>> -> memref<16x128xf32, #tpu.memory_space<vmem>>
      %dma_wait3A_580 = arith.constant 0 : i32
      %dma_wait3A_581 = tpu.memref_slice %arg3[%dma_wait3A_580, %multiple_of3A_240] : memref<16x1000000xf32, #tpu.memory_space<hbm>> -> memref<16x128xf32, #tpu.memory_space<hbm>>
      %dma_wait3A_582 = arith.constant 0 : i32
      %dma_wait3A_583 = arith.constant 0 : i32
      %dma_wait3A_584 = tpu.memref_slice %arg6[%dma_wait3A_575, %dma_wait3A_582, %dma_wait3A_583] : memref<16x16x128xf32, #tpu.memory_space<vmem>> -> memref<1x16x128xf32, #tpu.memory_space<vmem>>
      %dma_wait3A_585 = tpu.memref_squeeze %dma_wait3A_584 : memref<1x16x128xf32, #tpu.memory_space<vmem>> -> memref<16x128xf32, #tpu.memory_space<vmem>>
      %dma_wait3A_586 = arith.constant 0 : i32
      %dma_wait3A_587 = tpu.memref_slice %arg3[%dma_wait3A_586, %multiple_of3A_240] : memref<16x1000000xf32, #tpu.memory_space<hbm>> -> memref<16x128xf32, #tpu.memory_space<hbm>>
      tpu.wait_dma2 semaphore(%arg22 : memref<!tpu.dma_semaphore, #tpu.memory_space<semaphore_mem>>) src(%dma_wait3A_587 : memref<16x128xf32, #tpu.memory_space<hbm>>) dst(%dma_wait3A_585 : memref<16x128xf32, #tpu.memory_space<vmem>>)
      %broadcast_in_dim3A_588 = arith.constant 14 : i32
      %broadcast_in_dim3A_589 = vector.broadcast %broadcast_in_dim3A_588 : i32 to vector<16xi32>
      %slice3A_590 = vector.extract_strided_slice %sub3A {offsets = [14], sizes = [1], strides = [1]} : vector<16xi32> to vector<1xi32>
      %squeeze3A_591 = vector.extract %slice3A_590[0] : i32 from vector<1xi32>
      %broadcast_in_dim3A_592 = vector.broadcast %squeeze3A_591 : i32 to vector<16xi32>
      %gather3A_593 = tpu.vector_load_idx %arg6[%broadcast_in_dim3A_589, %iota3A, %broadcast_in_dim3A_592] : memref<16x16x128xf32, #tpu.memory_space<vmem>>[vector<16xi32>, vector<16xi32>, vector<16xi32>], vector<16xf32>,
      %add3A_594 = arith.constant 14 : i32
      %add3A_595 = arith.addi %mul3A_12, %add3A_594 : i32
      %broadcast_in_dim3A_596 = vector.broadcast %add3A_595 : i32 to vector<16xi32>
      tpu.vector_store_idx %arg7[%iota3A, %broadcast_in_dim3A_596], %gather3A_593 : memref<16x512xf32, #tpu.memory_space<vmem>>[vector<16xi32>, vector<16xi32>], vector<16xf32>,
      %dma_wait3A_597 = arith.constant 15 : i32
      %dma_wait3A_598 = arith.constant 0 : i32
      %dma_wait3A_599 = arith.constant 0 : i32
      %dma_wait3A_600 = tpu.memref_slice %arg6[%dma_wait3A_597, %dma_wait3A_598, %dma_wait3A_599] : memref<16x16x128xf32, #tpu.memory_space<vmem>> -> memref<1x16x128xf32, #tpu.memory_space<vmem>>
      %dma_wait3A_601 = tpu.memref_squeeze %dma_wait3A_600 : memref<1x16x128xf32, #tpu.memory_space<vmem>> -> memref<16x128xf32, #tpu.memory_space<vmem>>
      %dma_wait3A_602 = arith.constant 0 : i32
      %dma_wait3A_603 = tpu.memref_slice %arg3[%dma_wait3A_602, %multiple_of3A_256] : memref<16x1000000xf32, #tpu.memory_space<hbm>> -> memref<16x128xf32, #tpu.memory_space<hbm>>
      %dma_wait3A_604 = arith.constant 0 : i32
      %dma_wait3A_605 = arith.constant 0 : i32
      %dma_wait3A_606 = tpu.memref_slice %arg6[%dma_wait3A_597, %dma_wait3A_604, %dma_wait3A_605] : memref<16x16x128xf32, #tpu.memory_space<vmem>> -> memref<1x16x128xf32, #tpu.memory_space<vmem>>
      %dma_wait3A_607 = tpu.memref_squeeze %dma_wait3A_606 : memref<1x16x128xf32, #tpu.memory_space<vmem>> -> memref<16x128xf32, #tpu.memory_space<vmem>>
      %dma_wait3A_608 = arith.constant 0 : i32
      %dma_wait3A_609 = tpu.memref_slice %arg3[%dma_wait3A_608, %multiple_of3A_256] : memref<16x1000000xf32, #tpu.memory_space<hbm>> -> memref<16x128xf32, #tpu.memory_space<hbm>>
      tpu.wait_dma2 semaphore(%arg23 : memref<!tpu.dma_semaphore, #tpu.memory_space<semaphore_mem>>) src(%dma_wait3A_609 : memref<16x128xf32, #tpu.memory_space<hbm>>) dst(%dma_wait3A_607 : memref<16x128xf32, #tpu.memory_space<vmem>>)
      %broadcast_in_dim3A_610 = arith.constant 15 : i32
      %broadcast_in_dim3A_611 = vector.broadcast %broadcast_in_dim3A_610 : i32 to vector<16xi32>
      %slice3A_612 = vector.extract_strided_slice %sub3A {offsets = [15], sizes = [1], strides = [1]} : vector<16xi32> to vector<1xi32>
      %squeeze3A_613 = vector.extract %slice3A_612[0] : i32 from vector<1xi32>
      %broadcast_in_dim3A_614 = vector.broadcast %squeeze3A_613 : i32 to vector<16xi32>
      %gather3A_615 = tpu.vector_load_idx %arg6[%broadcast_in_dim3A_611, %iota3A, %broadcast_in_dim3A_614] : memref<16x16x128xf32, #tpu.memory_space<vmem>>[vector<16xi32>, vector<16xi32>, vector<16xi32>], vector<16xf32>,
      %add3A_616 = arith.constant 15 : i32
      %add3A_617 = arith.addi %mul3A_12, %add3A_616 : i32
      %broadcast_in_dim3A_618 = vector.broadcast %add3A_617 : i32 to vector<16xi32>
      tpu.vector_store_idx %arg7[%iota3A, %broadcast_in_dim3A_618], %gather3A_615 : memref<16x512xf32, #tpu.memory_space<vmem>>[vector<16xi32>, vector<16xi32>], vector<16xf32>,
      %scan3A_619 = arith.constant 0 : i32
      scf.yield %scan3A_619 : i32
    }
    %scan3A_8 = arith.constant 32 : i32
    "tpu.region"() ({
      %run_scoped3A = tpu.sem_alloc : memref<!tpu.dma_semaphore, #tpu.memory_space<semaphore_mem>>
      %dma_start3A = arith.constant 0 : i32
      %dma_start3A_9 = tpu.memref_slice %arg4[%dma_start3A, %mul3A_2] : memref<16x16384xf32, #tpu.memory_space<hbm>> -> memref<16x512xf32, #tpu.memory_space<hbm>>
      %dma_start3A_10 = arith.constant 0 : i32
      %dma_start3A_11 = tpu.memref_slice %arg4[%dma_start3A_10, %mul3A_2] : memref<16x16384xf32, #tpu.memory_space<hbm>> -> memref<16x512xf32, #tpu.memory_space<hbm>>
      tpu.enqueue_dma source(%arg7 : memref<16x512xf32, #tpu.memory_space<vmem>>) target(%dma_start3A_11 : memref<16x512xf32, #tpu.memory_space<hbm>>) target_semaphore(%run_scoped3A : memref<!tpu.dma_semaphore, #tpu.memory_space<semaphore_mem>>)
      %dma_wait3A = arith.constant 0 : i32
      %dma_wait3A_12 = tpu.memref_slice %arg4[%dma_wait3A, %mul3A_2] : memref<16x16384xf32, #tpu.memory_space<hbm>> -> memref<16x512xf32, #tpu.memory_space<hbm>>
      %dma_wait3A_13 = arith.constant 0 : i32
      %dma_wait3A_14 = tpu.memref_slice %arg4[%dma_wait3A_13, %mul3A_2] : memref<16x16384xf32, #tpu.memory_space<hbm>> -> memref<16x512xf32, #tpu.memory_space<hbm>>
      tpu.wait_dma2 semaphore(%run_scoped3A : memref<!tpu.dma_semaphore, #tpu.memory_space<semaphore_mem>>) src(%arg7 : memref<16x512xf32, #tpu.memory_space<vmem>>) dst(%dma_wait3A_14 : memref<16x512xf32, #tpu.memory_space<hbm>>)
      tpu.yield
    }) : () -> ()
    return
  }
}

</mosaic_0001>

<sc_bundles>
// kernel: kernel.3.cloned.1.call-start
scs
__scs_entry_jumppad:
0x0: {  	(pc) =	sbr.rel $0x88, $3  }
0x1: {  	(tag) =	ssettag $0x0;
	lr =	simm.s32 $0x1  }
0x2: {  	[smem:$0x3F9F] =	sst lr;
	_ =	strace $0xD0000000  }
0x3: {  	_ = 	snop  }
0x4: {  	_ = 	snop  }
0x5: {  	_ = 	snop  }
0x6: {  	_ = 	snop  }
0x7: {  	_ = 	snop  }
__scs_overlays_trampoline_lowered:
0x8: {  	[smem:$0x3FAE] =	sst s0  }
0x9: {  	[smem:$0x3FAF] =	sst s1  }
0xa: {  	[smem:$0x3FB0] =	sst s2  }
0xb: {  	[smem:$0x3FB1] =	sst s3  }
0xc: {  	[smem:$0x3FB2] =	sst s4  }
0xd: {  	[smem:$0x3FB3] =	sst s5  }
0xe: {  	[smem:$0x3FB4] =	sst s6  }
0xf: {  	[smem:$0x3FB5] =	sst s7  }
0x10: {  	[smem:$0x3FB6] =	sst s8  }
0x11: {  	[smem:$0x3FB7] =	sst s9;
	s0 =	simm.s32 @!p0 $0x0  }
0x12: {  	s1 =	sld [smem:$0x3F9D];
	s0 =	simm.s32 @p0 $0x1  }
0x13: {  	[smem:$0x3FB8] =	sst s0;
	s0 =	simm.s32 @!p1 $0x0  }
0x14: {  	s2 =	sld [smem:$0x3F9C];
	s0 =	simm.s32 @p1 $0x1  }
0x15: {  	[smem:$0x3FB9] =	sst s0;
	s0 =	simm.s32 @!p2 $0x0  }
0x16: {  	s3 =	sld [smem:$0x3FDB];
	s0 =	simm.s32 @p2 $0x1  }
0x17: {  	s4 =	simm.s32 $0x1BF5;
	[smem:$0x3FBB] =	sst s0  }
0x18: {  	s0 =	sld [smem:$0x3F9E];
	_ =	swait.ge [sflag:s4], $0x0  }
0x19: {  	s7 =	sld [smem:$0x3F9F]  }
0x1a: {  	s8 =	sadd.s32 $0xFFFFE003, lr  }
0x1b: {  	s9 =	sadd.s32 $0xFFFFFEF7, lr;
	s5 =	simm.s32 $0xFFFFFFFF;
	p2 =	slt.u32 s8, $0xFFFFF086  }
0x1c: {  	p1 =	slt.u32 s9, $0xF7A;
	s5 =	simm.s32 @!p2 $0x0  }
0x1d: {  	s5 =	simm.s32 @p1 $0x1;
	p0 =	seq.s32 s7, s2  }
0x1e: {  	s7 =	smul.u32 @!p0 $0xF7A, s2;
	p2 =	seq.s32 @!p0 s5, $0x0  }
0x1f: {  	s9 =	smul.u32 $0xF7A, s1;
	s8 =	simm.s32 @!p0 $0x1BF5;
	p2 =	por !p2, p0  }
0x20: {  	[sflag:s8] =	ssyncset.s32 @!p0 $0xFFFFF086;
	s6 =	sadd.s32 @!p0 s3, s7;
	s7 =	simm.s32 @!p0 $0x108  }
0x21: {  	s3 =	sadd.s32 s3, s9;
	s6 =	sadd.s32 @!p0 $0x88, s6;
	s7 =	simm.s32 @p2 $0x1082  }
0x22: {  	[simem:s7], [sflag:s8] =	dma.local @!p0 [hbm:s6], $0xF7A  }
0x23: {  	s9 =	sor.u32 $0xD0000000, s2;
	s6 =	simm.s32 $0x108;
	_ =	swait.ge @!p0 [sflag:s8], $0x0  }
0x24: {  	s3 =	sadd.s32 $0x88, s3;
	s6 =	simm.s32 @!p1 $0x1082;
	[sflag:s4] =	ssyncset.s32 $0xFFFFF086  }
0x25: {  	[simem:s6], [sflag:s4] =	dma.local [hbm:s3], $0xF7A  }
0x26: {  	[smem:$0x3F9F] =	sst s1;
	(tag) =	ssettag s2;
	_ =	strace s9  }
0x27: {  	s1 =	sld [smem:$0x3FAF]  }
0x28: {  	s2 =	sld [smem:$0x3FB0]  }
0x29: {  	s4 =	sld [smem:$0x3FB2]  }
0x2a: {  	p0 =	seq.s32 s5, $0x0;
	s5 =	sld [smem:$0x3FB3]  }
0x2b: {  	s6 =	sld [smem:$0x3FB4]  }
0x2c: {  	s7 =	sld [smem:$0x3FB5]  }
0x2d: {  	s3 =	simm.s32 $0x108;
	s8 =	sld [smem:$0x3FB6]  }
0x2e: {  	s3 =	simm.s32 @!p0 $0x1082;
	s9 =	sld [smem:$0x3FB7]  }
0x2f: {  	lr =	sadd.s32 s0, s3;
	s0 =	sld [smem:$0x3FAE]  }
0x30: {  	s3 =	sld [smem:$0x3FB1]  }
0x31: {  	[smem:$0x3FBA] =	sst s10  }
0x32: {  	s10 =	sld [smem:$0x3FB8];
	_ =	sdelay $0x3  }
0x33: {  	p0 =	seq.s32 s10, $0x1;
	s10 =	sld [smem:$0x3FBA];
	_ =	sdelay $0x3  }
0x34: {  	[smem:$0x3FBA] =	sst s10  }
0x35: {  	s10 =	sld [smem:$0x3FB9];
	_ =	sdelay $0x3  }
0x36: {  	p1 =	seq.s32 s10, $0x1;
	s10 =	sld [smem:$0x3FBA];
	_ =	sdelay $0x3  }
0x37: {  	[smem:$0x3FBA] =	sst s10  }
0x38: {  	s10 =	sld [smem:$0x3FBB]  }
0x39: {  	_ = 	snop;
	(pc) =	sbr.ind lr, $3  }
0x3a: {  	_ = 	snop  }
0x3b: {  	_ = 	snop  }
0x3c: {  	p2 =	seq.s32 s10, $0x1;
	s10 =	sld [smem:$0x3FBA]  }
0x3d: {  	_ =	shalt  }
0x3e: {  	_ =	shalt  }
0x3f: {  	_ =	shalt  }
0x40: {  	_ =	shalt  }
0x41: {  	_ =	shalt  }
0x42: {  	_ =	shalt  }
0x43: {  	_ =	shalt  }
0x44: {  	_ =	shalt  }
0x45: {  	_ =	shalt  }
0x46: {  	_ =	shalt  }
0x47: {  	_ =	shalt  }
0x48: {  	_ =	shalt  }
0x49: {  	_ =	shalt  }
0x4a: {  	_ =	shalt  }
0x4b: {  	_ =	shalt  }
0x4c: {  	_ =	shalt  }
0x4d: {  	_ =	shalt  }
0x4e: {  	_ =	shalt  }
0x4f: {  	_ =	shalt  }
0x50: {  	_ =	shalt  }
0x51: {  	_ =	shalt  }
0x52: {  	_ =	shalt  }
0x53: {  	_ =	shalt  }
0x54: {  	_ =	shalt  }
0x55: {  	_ =	shalt  }
0x56: {  	_ =	shalt  }
0x57: {  	_ =	shalt  }
0x58: {  	_ =	shalt  }
0x59: {  	_ =	shalt  }
0x5a: {  	_ =	shalt  }
0x5b: {  	_ =	shalt  }
0x5c: {  	_ =	shalt  }
0x5d: {  	_ =	shalt  }
0x5e: {  	_ =	shalt  }
0x5f: {  	_ =	shalt  }
0x60: {  	_ =	shalt  }
0x61: {  	_ =	shalt  }
0x62: {  	_ =	shalt  }
0x63: {  	_ =	shalt  }
0x64: {  	_ =	shalt  }
0x65: {  	_ =	shalt  }
0x66: {  	_ =	shalt  }
0x67: {  	_ =	shalt  }
0x68: {  	_ =	shalt  }
0x69: {  	_ =	shalt  }
0x6a: {  	_ =	shalt  }
0x6b: {  	_ =	shalt  }
0x6c: {  	_ =	shalt  }
0x6d: {  	_ =	shalt  }
0x6e: {  	_ =	shalt  }
0x6f: {  	_ =	shalt  }
0x70: {  	_ =	shalt  }
0x71: {  	_ =	shalt  }
0x72: {  	_ =	shalt  }
0x73: {  	_ =	shalt  }
0x74: {  	_ =	shalt  }
0x75: {  	_ =	shalt  }
0x76: {  	_ =	shalt  }
0x77: {  	_ =	shalt  }
0x78: {  	_ =	shalt  }
0x79: {  	_ =	shalt  }
0x7a: {  	_ =	shalt  }
0x7b: {  	_ =	shalt  }
0x7c: {  	_ =	shalt  }
0x7d: {  	_ =	shalt  }
0x7e: {  	_ =	shalt  }
0x7f: {  	_ =	shalt  }
0x80: {  	_ =	shalt  }
0x81: {  	_ =	shalt  }
0x82: {  	_ =	shalt  }
0x83: {  	_ =	shalt  }
0x84: {  	_ =	shalt  }
0x85: {  	_ =	shalt  }
0x86: {  	_ =	shalt  }
0x87: {  	_ =	shalt  }
.Lfunc_end0:
.L_simem_size_0:
called_computation_lowered:
.L_overlay_start_0:
0x88: {  	s2 =	sld [smem:$0x3FD9]  }
0x89: {  	s3 =	sld [smem:$0x3FFE];
	_ =	sdelay $0x1  }
0x8a: {  	s1 =	srdreg.scid  }
0x8b: {  	s0 =	sand.u32 $0x1, s1  }
0x8c: {  	s18 =	sshll.u32 s0, $0xA;
	s2 =	sadd.s32 s3, s2  }
0x8d: {  	s2 =	sadd.s32 s2, s18  }
0x8e: {  	[smem:$0x3FC6] =	sst s2  }
0x8f: {  	_ = 	snop  }
0x90: {  	s2 =	sld [smem:$0x3FC9]  }
0x91: {  	s19 =	sld [smem:$0x3FC8]  }
0x92: {  	s4 =	sld [smem:$0x3FD0];
	(tm) =	ssettm $0x1  }
0x93: {  	s5 =	sld [smem:$0x3FFB];
	_ =	sdelay $0x3  }
0x94: {  	_ =	strace s5  }
0x95: {  	s5 =	sld [smem:$0x3FFC];
	_ =	sdelay $0x3  }
0x96: {  	_ =	strace s5  }
0x97: {  	s5 =	sld [smem:$0x3FFD];
	_ =	sdelay $0x3  }
0x98: {  	_ =	strace s5  }
0x99: {  	_ =	strace $0x8FFFFFFF  }
0x9a: {  	s20 =	sld [smem:$0x3FDB];
	_ =	sdelay $0x1  }
0x9b: {  	s6 =	simm.s32 $_scs_section_size  }
0x9c: {  	s7 =	simm.s32 $_size__tile_overlayer_lowered;
	s8 =	simm.s32 $_tile_overlayer_lowered  }
0x9d: {  	s23 =	simm.s32 $0x1BFF;
	s22 =	sshll.u32 s8, $0x1;
	s5 =	sadd.s32 s6, s20  }
0x9e: {  	s9 =	simm.s32 $0x0;
	s21 =	sshll.u32 s7, $0x1;
	s7 =	sadd.s32 s22, s5  }
0x9f: {  	[timem:s9], [sflag:s23] =	dma.local [hbm:s7], s21  }
0xa0: {  	_ =	swait.ge [sflag:s23], s21  }
0xa1: {  	s6 =	ssub.s32 $0x0, s21;
	[sflag:s23] =	ssyncset.done $0x0  }
0xa2: {  	[sflag:s23] =	ssyncadd.s32 s6;
	_ =	sdelay $0x1  }
0xa3: {  	s24 =	simm.s32 $0x1B8B  }
0xa4: {  	_ =	swait.ge [sflag:s24], $0x1  }
0xa5: {  	[sflag:s24] =	ssyncset.done $0x0  }
0xa6: {  	s25 =	simm.s32 $0x1B8E;
	[sflag:s24] =	ssyncadd.s32 $0xFFFFFFFF  }
0xa7: {  	s26 =	simm.s32 $execute0_lowered;
	[smem:$0x3FD2] =	sst s25  }
0xa8: {  	s6 =	sshll.u32 s26, $0x1;
	_ =	strace $0x80000046;
	[dreg:$0x1] =	wrdreg $0xFFFFFFFF  }
0xa9: {  	s28 =	simm.s32 $_size_execute0_lowered;
	s5 =	sadd.s32 s5, s6;
	[dreg:$0x0] =	wrdreg $0x0  }
0xaa: {  	s6 =	sshll.u32 s28, $0x1;
	[dreg:$0x2] =	wrdreg s5  }
0xab: {  	[dreg:$0x3] =	wrdreg s6  }
0xac: {  	[dreg:$0x4] =	wrdreg $0xC0  }
0xad: {  	_ =	task [dreg:s9], $0x5FFFF  }
0xae: {  	[dreg:$0x1] =	wrdreg $0xFFFFFFFF  }
0xaf: {  	[dreg:$0x0] =	wrdreg $0x60  }
0xb0: {  	[dreg:$0x2] =	wrdreg s2  }
0xb1: {  	[dreg:$0x3] =	wrdreg s19  }
0xb2: {  	[dreg:$0x4] =	wrdreg s4  }
0xb3: {  	[dreg:$0x5] =	wrdreg $0x9  }
0xb4: {  	_ =	task.clear_ibuf [dreg:s9], $0x6FFFF;
	_ =	strace $0x90000046  }
0xb5: {  	s29 =	simm.s32 $0x9;
	_ =	strace $0x80000048  }
0xb6: {  	_ =	swait.ge [sflag:s29], $0x1  }
0xb7: {  	[sflag:s29] =	ssyncadd.s32 $0xFFFFFFFF  }
0xb8: {  	_ =	strace $0x90000048  }
0xb9: {  	_ =	sfence  }
0xba: {  	s30 =	sld [smem:$0x0];
	_ =	sdelay $0x2  }
0xbb: {  	s31 =	sshll.u32 s1, $0xD;
	s1 =	sshrl.u32 s1, $0x2  }
0xbc: {  	s3 =	sand.u32 $0x4000, s31;
	s1 =	sadd.s32 s1, s30  }
0xbd: {  	s0 =	sor.u32 s3, s0;
	s1 =	sshll.u32 s1, $0x11  }
0xbe: {  	s0 =	sor.u32 s1, s0  }
0xbf: {  	s0 =	sadd.s32 $0x8F2B, s0  }
0xc0: {  	[sflag:s0] =	ssyncadd.remote.s32 $0x1  }
0xc1: {  	_ =	sfence.sel $0xFFFF  }
0xc2: {  	[dreg:$0x0] =	wrdreg $0xFFFFFFFF;
	(pc) =	sbr.abs _section_cstart, $3  }
0xc3: {  	[dreg:$0x1] =	wrdreg $0xFFFFFFFF  }
0xc4: {  	_ =	task.clear_ibuf [dreg:s9], $0x2FFFF;
	_ =	strace $0x9FFFFFFF  }
0xc5: {  	(tm) =	ssettm $0x7FFFFFFF  }
tec
execute0_lowered:
.L_overlay_start_1:
0x0: {  	(tag) =	ssettag $0x1  }
0x1: {  	s0 =	rddreg [dreg:$0x0]  }
0x2: {  	s1 =	rddreg [dreg:$0x1]  }
0x3: {  	s13 =	rddreg [dreg:$0x2]  }
0x4: {  	s2 =	simm.s32 $0x0;
	[dreg:$0x4] =	wrdreg s1  }
0x5: {  	s4 =	simm.s32 $0xA00;
	[smem:$0x7FF] =	sst s2  }
0x6: {  	s15 =	simm.s32 $0x1200;
	_ =	strace $0x80000047;
	[dreg:$0x5] =	wrdreg s4  }
0x7: {  	v0 =	vimm.s32 $0x1380;
	vm0 =	vcmask $0x300;
	s16 =	simm.s32 $0x1A00;
	[dreg:$0x6] =	wrdreg s15  }
0x8: {  	s3 =	srdreg.scid;
	vm14 =	vcmask $0x704;
	s17 =	simm.s32 $0x2200;
	v0 =	vsel vm0, $0x0, v0;
	[dreg:$0x7] =	wrdreg s16  }
0x9: {  	s14 =	stileid.u32;
	vm15 =	vcmask $0xB08;
	s19 =	simm.s32 $0x2A00;
	v0 =	vsel vm14, $0x80, v0;
	[dreg:$0x8] =	wrdreg s17  }
0xa: {  	vm4 =	vcmask $0xF0C;
	s20 =	simm.s32 $0x3200;
	s21 =	simm.s32 $0x3A00;
	[dreg:$0x9] =	wrdreg s19;
	v0 =	vsel vm15, $0x100, v0  }
0xb: {  	vm5 =	vcmask $0x1310;
	s7 =	simm.s32 $0x4200;
	s23 =	simm.s32 $0x4A00;
	[dreg:$0xa] =	wrdreg s20;
	v0 =	vsel vm4, $0x180, v0  }
0xc: {  	vm6 =	vcmask $0x1714;
	s24 =	simm.s32 $0x5200;
	s25 =	simm.s32 $0x5A00;
	[dreg:$0xb] =	wrdreg s21;
	v0 =	vsel vm5, $0x200, v0  }
0xd: {  	vm7 =	vcmask $0x1B18;
	s26 =	simm.s32 $0x6200;
	s28 =	simm.s32 $0x6A00;
	[dreg:$0xc] =	wrdreg s7;
	v0 =	vsel vm6, $0x280, v0  }
0xe: {  	vm8 =	vcmask $0x1F1C;
	s8 =	simm.s32 $0x7A1400;
	s29 =	simm.s32 $0x7200;
	[dreg:$0xd] =	wrdreg s23;
	v0 =	vsel vm7, $0x300, v0  }
0xf: {  	vm9 =	vcmask $0x2320;
	s9 =	simm.s32 $0x200;
	s31 =	simm.s32 $0x7A00;
	[dreg:$0xe] =	wrdreg s24;
	v0 =	vsel vm8, $0x380, v0  }
0x10: {  	vm10 =	vcmask $0x2724;
	s10 =	simm.s32 $0x1;
	s11 =	simm.s32 $0x8200;
	[dreg:$0xf] =	wrdreg s25;
	v0 =	vsel vm9, $0x1000, v0  }
0x11: {  	vm11 =	vcmask $0x2B28;
	s12 =	simm.s32 $0x2;
	s30 =	simm.s32 $0x0;
	[dreg:$0x10] =	wrdreg s26;
	v0 =	vsel vm10, $0x1080, v0  }
0x12: {  	vm12 =	vcmask $0x2F2C;
	s3 =	sand.u32 $0x1, s3;
	s18 =	sshll.u32 s14, $0xA;
	[dreg:$0x11] =	wrdreg s28;
	v0 =	vsel vm11, $0x1100, v0  }
0x13: {  	vm13 =	vcmask $0x3330;
	s14 =	simm.s32 $0x4;
	s5 =	ssub.s32 $0x2, s3;
	[dreg:$0x12] =	wrdreg s29;
	v0 =	vsel vm12, $0x1180, v0  }
0x14: {  	v1 =	vlaneseq.u32;
	s3 =	sshll.u32 s3, $0x9;
	s7 =	simm.s32 $0x400;
	vm14 =	vcmask $0x3734;
	[dreg:$0x13] =	wrdreg s31;
	v2 =	vsel vm13, $0x1200, v0  }
0x15: {  	s15 =	simm.s32 $0x5;
	s16 =	simm.s32 $0x6;
	s17 =	simm.s32 $0x7;
	vm15 =	vcmask $0x3B38;
	v0 =	vmul.u32 $0x80, v1;
	v1 =	vsel vm14, $0x1280, v2  }
0x16: {  	s19 =	simm.s32 $0x9;
	s20 =	simm.s32 $0xA;
	s21 =	simm.s32 $0xB;
	v1 =	vsel vm15, $0x1300, v1  }
0x17: {  	s23 =	simm.s32 $0xD;
	s24 =	simm.s32 $0xE;
	s6 =	sshrl.u32 s5, $0x1;
	v2 =	vor.u32 $0x800, v0;
	v3 =	vor.u32 $0x1000, v0;
	v4 =	vor.u32 $0x1800, v0  }
0x18: {  	s25 =	simm.s32 $0xF;
	s5 =	ssub.s32 s5, s6;
	s6 =	sor.u32 s3, s18;
	v5 =	vor.u32 $0x2000, v0;
	v6 =	vor.u32 $0x2800, v0;
	v7 =	vor.u32 $0x3000, v0  }
0x19: {  	s26 =	simm.s32 $0x10;
	s18 =	simm.s32 $0x8;
	s22 =	sshrl.u32 s6, $0x3;
	v8 =	vor.u32 $0x3800, v0;
	v9 =	vor.u32 $0x4000, v0;
	v10 =	vor.u32 $0x4800, v0  }
0x1a: {  	s4 =	sadd.s32 s13, s6;
	s5 =	smax.u32 s5, $0x1;
	s6 =	simm.s32 $0x11;
	v11 =	vor.u32 $0x5000, v0;
	v12 =	vor.u32 $0x5800, v0;
	v13 =	vor.u32 $0x6000, v0  }
0x1b: {  	s13 =	simm.s32 $0x3;
	s3 =	sadd.s32 s0, s22;
	s22 =	simm.s32 $0xC;
	v14 =	vor.u32 $0x6800, v0;
	v15 =	vor.u32 $0x7000, v0;
	v16 =	vor.u32 $0x7800, v0  }
.LBB2_1:
0x1c: {  	s0 =	simm.s32 $0x0  }
0x1d: {  	[tilespmem:s0], [sflag:$0x11] =	stream.linear.gather [hbm4b:s3+s0], $0x200, $0x38;
	[tilespmem:$0xA200] =	vst v63  }
0x1e: {  	_ =	swait.ge [sflag:s6], $0x200  }
0x1f: {  	[sflag:s6] =	ssyncset.done $0x0  }
0x20: {  	[sflag:s6] =	ssyncadd.s32 $0xFFFFFE00  }
0x21: {  	v17 =	vld [tilespmem:s0+$0x0];
	_ =	sdelay $0x4  }
0x22: {  	s1 =	rddreg [dreg:$0x4];
	v18 =	vand.u32 $0xFFFFFF80, v17  }
0x23: {  	v18 =	vadd.s32 s1, v18  }
0x24: {  	(v2sf) =	vpush v18, $0x0;
	_ =	sdelay $0x1  }
0x25: {  	(v2sf) =	vpush v18, $0x1;
	_ =	sdelay $0x1  }
0x26: {  	(v2sf) =	vpush v18, $0x2;
	_ =	sdelay $0x1  }
0x27: {  	(v2sf) =	vpush v18, $0x3;
	_ =	sdelay $0x1  }
0x28: {  	(v2sf) =	vpush v18, $0x4;
	_ =	sdelay $0x1  }
0x29: {  	(v2sf) =	vpush v18, $0x5;
	_ =	sdelay $0x1  }
0x2a: {  	(v2sf) =	vpush v18, $0x6;
	_ =	sdelay $0x1  }
0x2b: {  	(v2sf) =	vpush v18, $0x7  }
0x2c: {  	s1 =	spop (v2sf)  }
0x2d: {  	(v2sf) =	vpush v18, $0x8;
	[tilespmem:s9], [sflag:$0x1] =	stream.strided.gather [hbm4b:s1+s7], $0x800, s8, s7, $0x38;
	[tilespmem:$0xA200] =	vst v63  }
0x2e: {  	s2 =	rddreg [dreg:$0x5];
	s31 =	spop (v2sf)  }
0x2f: {  	(v2sf) =	vpush v18, $0x9;
	[tilespmem:s2], [sflag:$0x2] =	stream.strided.gather [hbm4b:s31+s7], $0x800, s8, s7, $0x38;
	[tilespmem:$0xA200] =	vst v63  }
0x30: {  	s28 =	rddreg [dreg:$0x6];
	s31 =	spop (v2sf)  }
0x31: {  	(v2sf) =	vpush v18, $0xA;
	[tilespmem:s28], [sflag:$0x3] =	stream.strided.gather [hbm4b:s31+s7], $0x800, s8, s7, $0x38;
	[tilespmem:$0xA200] =	vst v63  }
0x32: {  	s29 =	rddreg [dreg:$0x7];
	s31 =	spop (v2sf)  }
0x33: {  	(v2sf) =	vpush v18, $0xB;
	[tilespmem:s29], [sflag:$0x4] =	stream.strided.gather [hbm4b:s31+s7], $0x800, s8, s7, $0x38;
	[tilespmem:$0xA200] =	vst v63  }
0x34: {  	s2 =	rddreg [dreg:$0x8];
	s31 =	spop (v2sf)  }
0x35: {  	(v2sf) =	vpush v18, $0xC;
	[tilespmem:s2], [sflag:$0x5] =	stream.strided.gather [hbm4b:s31+s7], $0x800, s8, s7, $0x38;
	[tilespmem:$0xA200] =	vst v63  }
0x36: {  	s28 =	rddreg [dreg:$0x9];
	s31 =	spop (v2sf)  }
0x37: {  	(v2sf) =	vpush v18, $0xD;
	[tilespmem:s28], [sflag:$0x6] =	stream.strided.gather [hbm4b:s31+s7], $0x800, s8, s7, $0x38;
	[tilespmem:$0xA200] =	vst v63  }
0x38: {  	s29 =	rddreg [dreg:$0xa];
	s31 =	spop (v2sf)  }
0x39: {  	(v2sf) =	vpush v18, $0xE;
	[tilespmem:s29], [sflag:$0x7] =	stream.strided.gather [hbm4b:s31+s7], $0x800, s8, s7, $0x38;
	[tilespmem:$0xA200] =	vst v63  }
0x3a: {  	s2 =	rddreg [dreg:$0xb];
	s31 =	spop (v2sf)  }
0x3b: {  	(v2sf) =	vpush v18, $0xF;
	[tilespmem:s2], [sflag:$0x8] =	stream.strided.gather [hbm4b:s31+s7], $0x800, s8, s7, $0x38;
	[tilespmem:$0xA200] =	vst v63  }
0x3c: {  	s28 =	rddreg [dreg:$0xc];
	s31 =	spop (v2sf)  }
0x3d: {  	[tilespmem:s28], [sflag:$0x9] =	stream.strided.gather [hbm4b:s31+s7], $0x800, s8, s7, $0x38;
	[tilespmem:$0xA200] =	vst v63  }
0x3e: {  	s29 =	rddreg [dreg:$0xd];
	s31 =	spop (v2sf)  }
0x3f: {  	[tilespmem:s29], [sflag:$0xA] =	stream.strided.gather [hbm4b:s31+s7], $0x800, s8, s7, $0x38;
	[tilespmem:$0xA200] =	vst v63  }
0x40: {  	s2 =	rddreg [dreg:$0xe];
	s31 =	spop (v2sf)  }
0x41: {  	[tilespmem:s2], [sflag:$0xB] =	stream.strided.gather [hbm4b:s31+s7], $0x800, s8, s7, $0x38;
	[tilespmem:$0xA200] =	vst v63  }
0x42: {  	s28 =	rddreg [dreg:$0xf];
	s31 =	spop (v2sf)  }
0x43: {  	[tilespmem:s28], [sflag:$0xC] =	stream.strided.gather [hbm4b:s31+s7], $0x800, s8, s7, $0x38;
	[tilespmem:$0xA200] =	vst v63  }
0x44: {  	s29 =	rddreg [dreg:$0x10];
	s31 =	spop (v2sf)  }
0x45: {  	[tilespmem:s29], [sflag:$0xD] =	stream.strided.gather [hbm4b:s31+s7], $0x800, s8, s7, $0x38;
	[tilespmem:$0xA200] =	vst v63  }
0x46: {  	s2 =	rddreg [dreg:$0x11];
	s31 =	spop (v2sf)  }
0x47: {  	v17 =	vand.u32 $0x7F, v17;
	[tilespmem:s2], [sflag:$0xE] =	stream.strided.gather [hbm4b:s31+s7], $0x800, s8, s7, $0x38;
	[tilespmem:$0xA200] =	vst v63  }
0x48: {  	v18 =	vbroadcast v17, $0x0;
	s28 =	rddreg [dreg:$0x12];
	s31 =	spop (v2sf)  }
0x49: {  	[tilespmem:s28], [sflag:$0xF] =	stream.strided.gather [hbm4b:s31+s7], $0x800, s8, s7, $0x38;
	[tilespmem:$0xA200] =	vst v63  }
0x4a: {  	v18 =	vor.u32 v0, v18;
	s29 =	rddreg [dreg:$0x13];
	s2 =	simm.s32 $0x0;
	s31 =	spop (v2sf)  }
0x4b: {  	v19 =	vmov s2;
	[tilespmem:s29], [sflag:$0x10] =	stream.strided.gather [hbm4b:s31+s7], $0x800, s8, s7, $0x38;
	[tilespmem:$0xA200] =	vst v63  }
0x4c: {  	v20 =	vshll.u32 v19, $0x3;
	_ =	swait.ge [sflag:s10], $0x800  }
0x4d: {  	v19 =	vand.u32 $0x70, v19;
	v20 =	vand.u32 $0xC00, v20;
	[sflag:s10] =	ssyncset.done $0x0  }
0x4e: {  	v19 =	vor.u32 v20, v19;
	[sflag:s10] =	ssyncadd.s32 $0xFFFFF800  }
0x4f: {  	v19 =	vor.u32 v1, v19;
	v18 =	vld.idx.msk [tilespmem:v18+s9+$0x0], $0xffff;
	_ =	sdelay $0x1  }
0x50: {  	v20 =	vbroadcast v17, $0x1;
	_ =	sdelay $0x1  }
0x51: {  	s28 =	simm.s32 $0x1;
	v20 =	vor.u32 v2, v20  }
0x52: {  	[tilespmem:v19+s11+$0x0] =	vst.idx.msk $0xffff, v18;
	v18 =	vmov s28  }
0x53: {  	_ =	swait.ge [sflag:s12], $0x800;
	v19 =	vshll.u32 v18, $0x3  }
0x54: {  	v18 =	vand.u32 $0x71, v18;
	[sflag:s12] =	ssyncset.done $0x0;
	v19 =	vand.u32 $0xC00, v19  }
0x55: {  	[sflag:s12] =	ssyncadd.s32 $0xFFFFF800;
	v18 =	vor.u32 v19, v18  }
0x56: {  	v19 =	vld.idx.msk [tilespmem:v20+s9+$0x0], $0xffff;
	v18 =	vor.u32 v1, v18;
	_ =	sdelay $0x1  }
0x57: {  	v20 =	vbroadcast v17, $0x2;
	_ =	sdelay $0x1  }
0x58: {  	s29 =	simm.s32 $0x2;
	v20 =	vor.u32 v3, v20  }
0x59: {  	[tilespmem:v18+s11+$0x0] =	vst.idx.msk $0xffff, v19;
	v18 =	vmov s29  }
0x5a: {  	_ =	swait.ge [sflag:s13], $0x800;
	v19 =	vshll.u32 v18, $0x3  }
0x5b: {  	v18 =	vand.u32 $0x72, v18;
	[sflag:s13] =	ssyncset.done $0x0;
	v19 =	vand.u32 $0xC00, v19  }
0x5c: {  	[sflag:s13] =	ssyncadd.s32 $0xFFFFF800;
	v18 =	vor.u32 v19, v18  }
0x5d: {  	v19 =	vld.idx.msk [tilespmem:v20+s9+$0x0], $0xffff;
	v18 =	vor.u32 v1, v18;
	_ =	sdelay $0x1  }
0x5e: {  	v20 =	vbroadcast v17, $0x3;
	_ =	sdelay $0x1  }
0x5f: {  	s1 =	simm.s32 $0x3;
	v20 =	vor.u32 v4, v20  }
0x60: {  	[tilespmem:v18+s11+$0x0] =	vst.idx.msk $0xffff, v19;
	v18 =	vmov s1  }
0x61: {  	_ =	swait.ge [sflag:s14], $0x800;
	v19 =	vshll.u32 v18, $0x3  }
0x62: {  	v18 =	vand.u32 $0x73, v18;
	[sflag:s14] =	ssyncset.done $0x0;
	v19 =	vand.u32 $0xC00, v19  }
0x63: {  	[sflag:s14] =	ssyncadd.s32 $0xFFFFF800;
	v18 =	vor.u32 v19, v18  }
0x64: {  	v19 =	vld.idx.msk [tilespmem:v20+s9+$0x0], $0xffff;
	v18 =	vor.u32 v1, v18;
	_ =	sdelay $0x1  }
0x65: {  	v20 =	vbroadcast v17, $0x4;
	_ =	sdelay $0x1  }
0x66: {  	s2 =	simm.s32 $0x4;
	v20 =	vor.u32 v5, v20  }
0x67: {  	[tilespmem:v18+s11+$0x0] =	vst.idx.msk $0xffff, v19;
	v18 =	vmov s2  }
0x68: {  	_ =	swait.ge [sflag:s15], $0x800;
	v19 =	vshll.u32 v18, $0x3  }
0x69: {  	v18 =	vand.u32 $0x74, v18;
	[sflag:s15] =	ssyncset.done $0x0;
	v19 =	vand.u32 $0xC00, v19  }
0x6a: {  	[sflag:s15] =	ssyncadd.s32 $0xFFFFF800;
	v18 =	vor.u32 v19, v18  }
0x6b: {  	v19 =	vld.idx.msk [tilespmem:v20+s9+$0x0], $0xffff;
	v18 =	vor.u32 v1, v18;
	_ =	sdelay $0x1  }
0x6c: {  	v20 =	vbroadcast v17, $0x5;
	_ =	sdelay $0x1  }
0x6d: {  	s28 =	simm.s32 $0x5;
	v20 =	vor.u32 v6, v20  }
0x6e: {  	[tilespmem:v18+s11+$0x0] =	vst.idx.msk $0xffff, v19;
	v18 =	vmov s28  }
0x6f: {  	_ =	swait.ge [sflag:s16], $0x800;
	v19 =	vshll.u32 v18, $0x3  }
0x70: {  	v18 =	vand.u32 $0x75, v18;
	[sflag:s16] =	ssyncset.done $0x0;
	v19 =	vand.u32 $0xC00, v19  }
0x71: {  	[sflag:s16] =	ssyncadd.s32 $0xFFFFF800;
	v18 =	vor.u32 v19, v18  }
0x72: {  	v19 =	vld.idx.msk [tilespmem:v20+s9+$0x0], $0xffff;
	v18 =	vor.u32 v1, v18;
	_ =	sdelay $0x1  }
0x73: {  	v20 =	vbroadcast v17, $0x6;
	_ =	sdelay $0x1  }
0x74: {  	s29 =	simm.s32 $0x6;
	v20 =	vor.u32 v7, v20  }
0x75: {  	[tilespmem:v18+s11+$0x0] =	vst.idx.msk $0xffff, v19;
	v18 =	vmov s29  }
0x76: {  	_ =	swait.ge [sflag:s17], $0x800;
	v19 =	vshll.u32 v18, $0x3  }
0x77: {  	v18 =	vand.u32 $0x76, v18;
	[sflag:s17] =	ssyncset.done $0x0;
	v19 =	vand.u32 $0xC00, v19  }
0x78: {  	[sflag:s17] =	ssyncadd.s32 $0xFFFFF800;
	v18 =	vor.u32 v19, v18  }
0x79: {  	v19 =	vld.idx.msk [tilespmem:v20+s9+$0x0], $0xffff;
	v18 =	vor.u32 v1, v18;
	_ =	sdelay $0x1  }
0x7a: {  	v20 =	vbroadcast v17, $0x7;
	_ =	sdelay $0x1  }
0x7b: {  	s1 =	simm.s32 $0x7;
	v20 =	vor.u32 v8, v20  }
0x7c: {  	[tilespmem:v18+s11+$0x0] =	vst.idx.msk $0xffff, v19;
	v18 =	vmov s1  }
0x7d: {  	_ =	swait.ge [sflag:s18], $0x800;
	v19 =	vshll.u32 v18, $0x3  }
0x7e: {  	v18 =	vand.u32 $0x77, v18;
	[sflag:s18] =	ssyncset.done $0x0;
	v19 =	vand.u32 $0xC00, v19  }
0x7f: {  	[sflag:s18] =	ssyncadd.s32 $0xFFFFF800;
	v18 =	vor.u32 v19, v18  }
0x80: {  	v19 =	vld.idx.msk [tilespmem:v20+s9+$0x0], $0xffff;
	v18 =	vor.u32 v1, v18;
	_ =	sdelay $0x1  }
0x81: {  	v20 =	vbroadcast v17, $0x8;
	_ =	sdelay $0x1  }
0x82: {  	s2 =	simm.s32 $0x8;
	v20 =	vor.u32 v9, v20  }
0x83: {  	[tilespmem:v18+s11+$0x0] =	vst.idx.msk $0xffff, v19;
	v18 =	vmov s2  }
0x84: {  	_ =	swait.ge [sflag:s19], $0x800;
	v19 =	vshll.u32 v18, $0x3  }
0x85: {  	v18 =	vand.u32 $0x78, v18;
	[sflag:s19] =	ssyncset.done $0x0;
	v19 =	vand.u32 $0xC00, v19  }
0x86: {  	[sflag:s19] =	ssyncadd.s32 $0xFFFFF800;
	v18 =	vor.u32 v19, v18  }
0x87: {  	v19 =	vld.idx.msk [tilespmem:v20+s9+$0x0], $0xffff;
	v18 =	vor.u32 v1, v18;
	_ =	sdelay $0x1  }
0x88: {  	v20 =	vbroadcast v17, $0x9;
	_ =	sdelay $0x1  }
0x89: {  	s28 =	simm.s32 $0x9;
	v20 =	vor.u32 v10, v20  }
0x8a: {  	[tilespmem:v18+s11+$0x0] =	vst.idx.msk $0xffff, v19;
	v18 =	vmov s28  }
0x8b: {  	_ =	swait.ge [sflag:s20], $0x800;
	v19 =	vshll.u32 v18, $0x3  }
0x8c: {  	v18 =	vand.u32 $0x79, v18;
	[sflag:s20] =	ssyncset.done $0x0;
	v19 =	vand.u32 $0xC00, v19  }
0x8d: {  	[sflag:s20] =	ssyncadd.s32 $0xFFFFF800;
	v18 =	vor.u32 v19, v18  }
0x8e: {  	v19 =	vld.idx.msk [tilespmem:v20+s9+$0x0], $0xffff;
	v18 =	vor.u32 v1, v18;
	_ =	sdelay $0x1  }
0x8f: {  	v20 =	vbroadcast v17, $0xA;
	_ =	sdelay $0x1  }
0x90: {  	s29 =	simm.s32 $0xA;
	v20 =	vor.u32 v11, v20  }
0x91: {  	[tilespmem:v18+s11+$0x0] =	vst.idx.msk $0xffff, v19;
	v18 =	vmov s29  }
0x92: {  	_ =	swait.ge [sflag:s21], $0x800;
	v19 =	vshll.u32 v18, $0x3  }
0x93: {  	v18 =	vand.u32 $0x7A, v18;
	[sflag:s21] =	ssyncset.done $0x0;
	v19 =	vand.u32 $0xC00, v19  }
0x94: {  	[sflag:s21] =	ssyncadd.s32 $0xFFFFF800;
	v18 =	vor.u32 v19, v18  }
0x95: {  	v19 =	vld.idx.msk [tilespmem:v20+s9+$0x0], $0xffff;
	v18 =	vor.u32 v1, v18;
	_ =	sdelay $0x1  }
0x96: {  	v20 =	vbroadcast v17, $0xB;
	_ =	sdelay $0x1  }
0x97: {  	s1 =	simm.s32 $0xB;
	v20 =	vor.u32 v12, v20  }
0x98: {  	[tilespmem:v18+s11+$0x0] =	vst.idx.msk $0xffff, v19;
	v18 =	vmov s1  }
0x99: {  	_ =	swait.ge [sflag:s22], $0x800;
	v19 =	vshll.u32 v18, $0x3  }
0x9a: {  	v18 =	vand.u32 $0x7B, v18;
	[sflag:s22] =	ssyncset.done $0x0;
	v19 =	vand.u32 $0xC00, v19  }
0x9b: {  	[sflag:s22] =	ssyncadd.s32 $0xFFFFF800;
	v18 =	vor.u32 v19, v18  }
0x9c: {  	v19 =	vld.idx.msk [tilespmem:v20+s9+$0x0], $0xffff;
	v18 =	vor.u32 v1, v18;
	_ =	sdelay $0x1  }
0x9d: {  	v20 =	vbroadcast v17, $0xC;
	_ =	sdelay $0x1  }
0x9e: {  	s2 =	simm.s32 $0xC;
	v20 =	vor.u32 v13, v20  }
0x9f: {  	[tilespmem:v18+s11+$0x0] =	vst.idx.msk $0xffff, v19;
	v18 =	vmov s2  }
0xa0: {  	_ =	swait.ge [sflag:s23], $0x800;
	v19 =	vshll.u32 v18, $0x3  }
0xa1: {  	v18 =	vand.u32 $0x7C, v18;
	[sflag:s23] =	ssyncset.done $0x0;
	v19 =	vand.u32 $0xC00, v19  }
0xa2: {  	[sflag:s23] =	ssyncadd.s32 $0xFFFFF800;
	v18 =	vor.u32 v19, v18  }
0xa3: {  	v19 =	vld.idx.msk [tilespmem:v20+s9+$0x0], $0xffff;
	v18 =	vor.u32 v1, v18;
	_ =	sdelay $0x1  }
0xa4: {  	v20 =	vbroadcast v17, $0xD;
	_ =	sdelay $0x1  }
0xa5: {  	s28 =	simm.s32 $0xD;
	v20 =	vor.u32 v14, v20  }
0xa6: {  	[tilespmem:v18+s11+$0x0] =	vst.idx.msk $0xffff, v19;
	v18 =	vmov s28  }
0xa7: {  	_ =	swait.ge [sflag:s24], $0x800;
	v19 =	vshll.u32 v18, $0x3  }
0xa8: {  	v18 =	vand.u32 $0x7D, v18;
	[sflag:s24] =	ssyncset.done $0x0;
	v19 =	vand.u32 $0xC00, v19  }
0xa9: {  	[sflag:s24] =	ssyncadd.s32 $0xFFFFF800;
	v18 =	vor.u32 v19, v18  }
0xaa: {  	v19 =	vld.idx.msk [tilespmem:v20+s9+$0x0], $0xffff;
	v18 =	vor.u32 v1, v18;
	_ =	sdelay $0x1  }
0xab: {  	v20 =	vbroadcast v17, $0xE;
	_ =	sdelay $0x1  }
0xac: {  	s29 =	simm.s32 $0xE;
	v20 =	vor.u32 v15, v20  }
0xad: {  	[tilespmem:v18+s11+$0x0] =	vst.idx.msk $0xffff, v19;
	v18 =	vmov s29  }
0xae: {  	_ =	swait.ge [sflag:s25], $0x800;
	v19 =	vshll.u32 v18, $0x3  }
0xaf: {  	v18 =	vand.u32 $0x7E, v18;
	[sflag:s25] =	ssyncset.done $0x0;
	v19 =	vand.u32 $0xC00, v19  }
0xb0: {  	[sflag:s25] =	ssyncadd.s32 $0xFFFFF800;
	v18 =	vor.u32 v19, v18  }
0xb1: {  	v19 =	vld.idx.msk [tilespmem:v20+s9+$0x0], $0xffff;
	v18 =	vor.u32 v1, v18;
	_ =	sdelay $0x1  }
0xb2: {  	v17 =	vbroadcast v17, $0xF;
	_ =	sdelay $0x1  }
0xb3: {  	v17 =	vor.u32 v16, v17  }
0xb4: {  	[tilespmem:v18+s11+$0x0] =	vst.idx.msk $0xffff, v19;
	v18 =	vmov s25  }
0xb5: {  	_ =	swait.ge [sflag:s26], $0x800;
	v19 =	vshll.u32 v18, $0x3  }
0xb6: {  	v18 =	vand.u32 $0x7F, v18;
	[sflag:s26] =	ssyncset.done $0x0;
	v19 =	vand.u32 $0xC00, v19  }
0xb7: {  	[sflag:s26] =	ssyncadd.s32 $0xFFFFF800;
	v18 =	vor.u32 v19, v18  }
0xb8: {  	s0 =	simm.s32 $0x0;
	s31 =	simm.s32 $0x1F;
	v17 =	vld.idx.msk [tilespmem:v17+s9+$0x0], $0xffff;
	v18 =	vor.u32 v1, v18  }
.LBB2_2:
0xb9: {  	_ =	sdelay $0x3  }
0xba: {  	s0 =	sadd.s32 $0x10, s0;
	[tilespmem:v18+s11+$0x0] =	vst.idx.msk $0xffff, v17  }
0xbb: {  	v17 =	vld [tilespmem:s0+$0x0];
	_ =	sdelay $0x4  }
0xbc: {  	s28 =	rddreg [dreg:$0x4];
	v18 =	vand.u32 $0xFFFFFF80, v17  }
0xbd: {  	v32 =	vadd.s32 s28, v18  }
0xbe: {  	(v2sf) =	vpush v32, $0x0;
	_ =	sdelay $0x1  }
0xbf: {  	(v2sf) =	vpush v32, $0x1;
	_ =	sdelay $0x1  }
0xc0: {  	(v2sf) =	vpush v32, $0x2;
	_ =	sdelay $0x1  }
0xc1: {  	(v2sf) =	vpush v32, $0x3;
	_ =	sdelay $0x1  }
0xc2: {  	(v2sf) =	vpush v32, $0x4;
	_ =	sdelay $0x1  }
0xc3: {  	(v2sf) =	vpush v32, $0x5;
	_ =	sdelay $0x1  }
0xc4: {  	(v2sf) =	vpush v32, $0x6;
	_ =	sdelay $0x1  }
0xc5: {  	(v2sf) =	vpush v32, $0x7  }
0xc6: {  	s29 =	spop (v2sf)  }
0xc7: {  	(v2sf) =	vpush v32, $0x8;
	[tilespmem:s9], [sflag:$0x1] =	stream.strided.gather [hbm4b:s29+s7], $0x800, s8, s7, $0x38;
	[tilespmem:$0xA200] =	vst v63  }
0xc8: {  	s28 =	rddreg [dreg:$0x5];
	s2 =	spop (v2sf)  }
0xc9: {  	(v2sf) =	vpush v32, $0x9;
	[tilespmem:s28], [sflag:$0x2] =	stream.strided.gather [hbm4b:s2+s7], $0x800, s8, s7, $0x38;
	[tilespmem:$0xA200] =	vst v63  }
0xca: {  	s29 =	rddreg [dreg:$0x6];
	s28 =	spop (v2sf)  }
0xcb: {  	(v2sf) =	vpush v32, $0xA;
	[tilespmem:s29], [sflag:$0x3] =	stream.strided.gather [hbm4b:s28+s7], $0x800, s8, s7, $0x38;
	[tilespmem:$0xA200] =	vst v63  }
0xcc: {  	s2 =	rddreg [dreg:$0x7];
	s29 =	spop (v2sf)  }
0xcd: {  	(v2sf) =	vpush v32, $0xB;
	[tilespmem:s2], [sflag:$0x4] =	stream.strided.gather [hbm4b:s29+s7], $0x800, s8, s7, $0x38;
	[tilespmem:$0xA200] =	vst v63  }
0xce: {  	s28 =	rddreg [dreg:$0x8];
	s29 =	spop (v2sf)  }
0xcf: {  	(v2sf) =	vpush v32, $0xC;
	[tilespmem:s28], [sflag:$0x5] =	stream.strided.gather [hbm4b:s29+s7], $0x800, s8, s7, $0x38;
	[tilespmem:$0xA200] =	vst v63  }
0xd0: {  	s2 =	rddreg [dreg:$0x9];
	s29 =	spop (v2sf)  }
0xd1: {  	(v2sf) =	vpush v32, $0xD;
	[tilespmem:s2], [sflag:$0x6] =	stream.strided.gather [hbm4b:s29+s7], $0x800, s8, s7, $0x38;
	[tilespmem:$0xA200] =	vst v63  }
0xd2: {  	s28 =	rddreg [dreg:$0xa];
	s29 =	spop (v2sf)  }
0xd3: {  	(v2sf) =	vpush v32, $0xE;
	[tilespmem:s28], [sflag:$0x7] =	stream.strided.gather [hbm4b:s29+s7], $0x800, s8, s7, $0x38;
	[tilespmem:$0xA200] =	vst v63  }
0xd4: {  	s2 =	rddreg [dreg:$0xb];
	s29 =	spop (v2sf)  }
0xd5: {  	(v2sf) =	vpush v32, $0xF;
	[tilespmem:s2], [sflag:$0x8] =	stream.strided.gather [hbm4b:s29+s7], $0x800, s8, s7, $0x38;
	[tilespmem:$0xA200] =	vst v63  }
0xd6: {  	s28 =	rddreg [dreg:$0xc];
	s29 =	spop (v2sf)  }
0xd7: {  	[tilespmem:s28], [sflag:$0x9] =	stream.strided.gather [hbm4b:s29+s7], $0x800, s8, s7, $0x38;
	[tilespmem:$0xA200] =	vst v63  }
0xd8: {  	s2 =	rddreg [dreg:$0xd];
	s29 =	spop (v2sf)  }
0xd9: {  	[tilespmem:s2], [sflag:$0xA] =	stream.strided.gather [hbm4b:s29+s7], $0x800, s8, s7, $0x38;
	[tilespmem:$0xA200] =	vst v63  }
0xda: {  	s28 =	rddreg [dreg:$0xe];
	s29 =	spop (v2sf)  }
0xdb: {  	[tilespmem:s28], [sflag:$0xB] =	stream.strided.gather [hbm4b:s29+s7], $0x800, s8, s7, $0x38;
	[tilespmem:$0xA200] =	vst v63  }
0xdc: {  	s2 =	rddreg [dreg:$0xf];
	s29 =	spop (v2sf)  }
0xdd: {  	[tilespmem:s2], [sflag:$0xC] =	stream.strided.gather [hbm4b:s29+s7], $0x800, s8, s7, $0x38;
	[tilespmem:$0xA200] =	vst v63  }
0xde: {  	s28 =	rddreg [dreg:$0x10];
	s29 =	spop (v2sf)  }
0xdf: {  	[tilespmem:s28], [sflag:$0xD] =	stream.strided.gather [hbm4b:s29+s7], $0x800, s8, s7, $0x38;
	[tilespmem:$0xA200] =	vst v63  }
0xe0: {  	s2 =	rddreg [dreg:$0x11];
	s29 =	spop (v2sf)  }
0xe1: {  	v17 =	vand.u32 $0x7F, v17;
	[tilespmem:s2], [sflag:$0xE] =	stream.strided.gather [hbm4b:s29+s7], $0x800, s8, s7, $0x38;
	[tilespmem:$0xA200] =	vst v63  }
0xe2: {  	s1 =	smov.u32 s31;
	v33 =	vbroadcast v17, $0x0;
	s28 =	rddreg [dreg:$0x12];
	s29 =	spop (v2sf)  }
0xe3: {  	[tilespmem:s28], [sflag:$0xF] =	stream.strided.gather [hbm4b:s29+s7], $0x800, s8, s7, $0x38;
	[tilespmem:$0xA200] =	vst v63  }
0xe4: {  	v37 =	vor.u32 v0, v33;
	s2 =	rddreg [dreg:$0x13];
	s28 =	sadd.s32 $0xFFFFFFF1, s1;
	s29 =	spop (v2sf)  }
0xe5: {  	v38 =	vmov s28;
	[tilespmem:s2], [sflag:$0x10] =	stream.strided.gather [hbm4b:s29+s7], $0x800, s8, s7, $0x38;
	[tilespmem:$0xA200] =	vst v63  }
0xe6: {  	v34 =	vshll.u32 v38, $0x3;
	_ =	swait.ge [sflag:s10], $0x800  }
0xe7: {  	v33 =	vand.u32 $0x70, v38;
	v34 =	vand.u32 $0xC00, v34;
	[sflag:s10] =	ssyncset.done $0x0  }
0xe8: {  	v33 =	vor.u32 v34, v33;
	[sflag:s10] =	ssyncadd.s32 $0xFFFFF800  }
0xe9: {  	v33 =	vor.u32 v1, v33;
	v32 =	vld.idx.msk [tilespmem:v37+s9+$0x0], $0xffff;
	_ =	sdelay $0x1  }
0xea: {  	v31 =	vbroadcast v17, $0x1;
	_ =	sdelay $0x1  }
0xeb: {  	v31 =	vor.u32 v2, v31;
	s28 =	sadd.s32 $0xFFFFFFF2, s1  }
0xec: {  	v39 =	vmov s28;
	[tilespmem:v33+s11+$0x0] =	vst.idx.msk $0xffff, v32  }
0xed: {  	v40 =	vshll.u32 v39, $0x3;
	_ =	swait.ge [sflag:s12], $0x800  }
0xee: {  	v32 =	vand.u32 $0x71, v39;
	v33 =	vand.u32 $0xC00, v40;
	[sflag:s12] =	ssyncset.done $0x0  }
0xef: {  	v32 =	vor.u32 v33, v32;
	[sflag:s12] =	ssyncadd.s32 $0xFFFFF800  }
0xf0: {  	v32 =	vor.u32 v1, v32;
	v31 =	vld.idx.msk [tilespmem:v31+s9+$0x0], $0xffff;
	_ =	sdelay $0x1  }
0xf1: {  	v30 =	vbroadcast v17, $0x2;
	_ =	sdelay $0x1  }
0xf2: {  	v30 =	vor.u32 v3, v30;
	s29 =	sadd.s32 $0xFFFFFFF3, s1  }
0xf3: {  	v41 =	vmov s29;
	[tilespmem:v32+s11+$0x0] =	vst.idx.msk $0xffff, v31  }
0xf4: {  	v42 =	vshll.u32 v41, $0x3;
	_ =	swait.ge [sflag:s13], $0x800  }
0xf5: {  	v31 =	vand.u32 $0x72, v41;
	v32 =	vand.u32 $0xC00, v42;
	[sflag:s13] =	ssyncset.done $0x0  }
0xf6: {  	v31 =	vor.u32 v32, v31;
	[sflag:s13] =	ssyncadd.s32 $0xFFFFF800  }
0xf7: {  	v31 =	vor.u32 v1, v31;
	v30 =	vld.idx.msk [tilespmem:v30+s9+$0x0], $0xffff;
	_ =	sdelay $0x1  }
0xf8: {  	v29 =	vbroadcast v17, $0x3;
	_ =	sdelay $0x1  }
0xf9: {  	v29 =	vor.u32 v4, v29;
	s28 =	sadd.s32 $0xFFFFFFF4, s1  }
0xfa: {  	v43 =	vmov s28;
	[tilespmem:v31+s11+$0x0] =	vst.idx.msk $0xffff, v30  }
0xfb: {  	v44 =	vshll.u32 v43, $0x3;
	_ =	swait.ge [sflag:s14], $0x800  }
0xfc: {  	v30 =	vand.u32 $0x73, v43;
	v31 =	vand.u32 $0xC00, v44;
	[sflag:s14] =	ssyncset.done $0x0  }
0xfd: {  	v30 =	vor.u32 v31, v30;
	[sflag:s14] =	ssyncadd.s32 $0xFFFFF800  }
0xfe: {  	v30 =	vor.u32 v1, v30;
	v29 =	vld.idx.msk [tilespmem:v29+s9+$0x0], $0xffff;
	_ =	sdelay $0x1  }
0xff: {  	v28 =	vbroadcast v17, $0x4;
	_ =	sdelay $0x1  }
0x100: {  	v28 =	vor.u32 v5, v28;
	s29 =	sadd.s32 $0xFFFFFFF5, s1  }
0x101: {  	v45 =	vmov s29;
	[tilespmem:v30+s11+$0x0] =	vst.idx.msk $0xffff, v29  }
0x102: {  	v46 =	vshll.u32 v45, $0x3;
	_ =	swait.ge [sflag:s15], $0x800  }
0x103: {  	v29 =	vand.u32 $0x74, v45;
	v30 =	vand.u32 $0xC00, v46;
	[sflag:s15] =	ssyncset.done $0x0  }
0x104: {  	v29 =	vor.u32 v30, v29;
	[sflag:s15] =	ssyncadd.s32 $0xFFFFF800  }
0x105: {  	v29 =	vor.u32 v1, v29;
	v28 =	vld.idx.msk [tilespmem:v28+s9+$0x0], $0xffff;
	_ =	sdelay $0x1  }
0x106: {  	v27 =	vbroadcast v17, $0x5;
	_ =	sdelay $0x1  }
0x107: {  	v27 =	vor.u32 v6, v27;
	s28 =	sadd.s32 $0xFFFFFFF6, s1  }
0x108: {  	v47 =	vmov s28;
	[tilespmem:v29+s11+$0x0] =	vst.idx.msk $0xffff, v28  }
0x109: {  	v48 =	vshll.u32 v47, $0x3;
	_ =	swait.ge [sflag:s16], $0x800  }
0x10a: {  	v28 =	vand.u32 $0x75, v47;
	v29 =	vand.u32 $0xC00, v48;
	[sflag:s16] =	ssyncset.done $0x0  }
0x10b: {  	v28 =	vor.u32 v29, v28;
	[sflag:s16] =	ssyncadd.s32 $0xFFFFF800  }
0x10c: {  	v28 =	vor.u32 v1, v28;
	v27 =	vld.idx.msk [tilespmem:v27+s9+$0x0], $0xffff;
	_ =	sdelay $0x1  }
0x10d: {  	v26 =	vbroadcast v17, $0x6;
	_ =	sdelay $0x1  }
0x10e: {  	v26 =	vor.u32 v7, v26;
	s29 =	sadd.s32 $0xFFFFFFF7, s1  }
0x10f: {  	v49 =	vmov s29;
	[tilespmem:v28+s11+$0x0] =	vst.idx.msk $0xffff, v27  }
0x110: {  	v50 =	vshll.u32 v49, $0x3;
	_ =	swait.ge [sflag:s17], $0x800  }
0x111: {  	v27 =	vand.u32 $0x76, v49;
	v28 =	vand.u32 $0xC00, v50;
	[sflag:s17] =	ssyncset.done $0x0  }
0x112: {  	v27 =	vor.u32 v28, v27;
	[sflag:s17] =	ssyncadd.s32 $0xFFFFF800  }
0x113: {  	v27 =	vor.u32 v1, v27;
	v26 =	vld.idx.msk [tilespmem:v26+s9+$0x0], $0xffff;
	_ =	sdelay $0x1  }
0x114: {  	v25 =	vbroadcast v17, $0x7;
	_ =	sdelay $0x1  }
0x115: {  	v25 =	vor.u32 v8, v25;
	s28 =	sadd.s32 $0xFFFFFFF8, s1  }
0x116: {  	v51 =	vmov s28;
	[tilespmem:v27+s11+$0x0] =	vst.idx.msk $0xffff, v26  }
0x117: {  	v52 =	vshll.u32 v51, $0x3;
	_ =	swait.ge [sflag:s18], $0x800  }
0x118: {  	v26 =	vand.u32 $0x77, v51;
	v27 =	vand.u32 $0xC00, v52;
	[sflag:s18] =	ssyncset.done $0x0  }
0x119: {  	v26 =	vor.u32 v27, v26;
	[sflag:s18] =	ssyncadd.s32 $0xFFFFF800  }
0x11a: {  	v26 =	vor.u32 v1, v26;
	v25 =	vld.idx.msk [tilespmem:v25+s9+$0x0], $0xffff;
	_ =	sdelay $0x1  }
0x11b: {  	v24 =	vbroadcast v17, $0x8;
	_ =	sdelay $0x1  }
0x11c: {  	v24 =	vor.u32 v9, v24;
	s29 =	sadd.s32 $0xFFFFFFF9, s1  }
0x11d: {  	v53 =	vmov s29;
	[tilespmem:v26+s11+$0x0] =	vst.idx.msk $0xffff, v25  }
0x11e: {  	v54 =	vshll.u32 v53, $0x3;
	_ =	swait.ge [sflag:s19], $0x800  }
0x11f: {  	v25 =	vand.u32 $0x78, v53;
	v26 =	vand.u32 $0xC00, v54;
	[sflag:s19] =	ssyncset.done $0x0  }
0x120: {  	v25 =	vor.u32 v26, v25;
	[sflag:s19] =	ssyncadd.s32 $0xFFFFF800  }
0x121: {  	v25 =	vor.u32 v1, v25;
	v24 =	vld.idx.msk [tilespmem:v24+s9+$0x0], $0xffff;
	_ =	sdelay $0x1  }
0x122: {  	v23 =	vbroadcast v17, $0x9;
	_ =	sdelay $0x1  }
0x123: {  	v23 =	vor.u32 v10, v23;
	s28 =	sadd.s32 $0xFFFFFFFA, s1  }
0x124: {  	v55 =	vmov s28;
	[tilespmem:v25+s11+$0x0] =	vst.idx.msk $0xffff, v24  }
0x125: {  	v56 =	vshll.u32 v55, $0x3;
	_ =	swait.ge [sflag:s20], $0x800  }
0x126: {  	v24 =	vand.u32 $0x79, v55;
	v25 =	vand.u32 $0xC00, v56;
	[sflag:s20] =	ssyncset.done $0x0  }
0x127: {  	v24 =	vor.u32 v25, v24;
	[sflag:s20] =	ssyncadd.s32 $0xFFFFF800  }
0x128: {  	v24 =	vor.u32 v1, v24;
	v23 =	vld.idx.msk [tilespmem:v23+s9+$0x0], $0xffff;
	_ =	sdelay $0x1  }
0x129: {  	v22 =	vbroadcast v17, $0xA;
	_ =	sdelay $0x1  }
0x12a: {  	v22 =	vor.u32 v11, v22;
	s29 =	sadd.s32 $0xFFFFFFFB, s1  }
0x12b: {  	v57 =	vmov s29;
	[tilespmem:v24+s11+$0x0] =	vst.idx.msk $0xffff, v23  }
0x12c: {  	v58 =	vshll.u32 v57, $0x3;
	_ =	swait.ge [sflag:s21], $0x800  }
0x12d: {  	v23 =	vand.u32 $0x7A, v57;
	v24 =	vand.u32 $0xC00, v58;
	[sflag:s21] =	ssyncset.done $0x0  }
0x12e: {  	v23 =	vor.u32 v24, v23;
	[sflag:s21] =	ssyncadd.s32 $0xFFFFF800  }
0x12f: {  	v23 =	vor.u32 v1, v23;
	v22 =	vld.idx.msk [tilespmem:v22+s9+$0x0], $0xffff;
	_ =	sdelay $0x1  }
0x130: {  	v21 =	vbroadcast v17, $0xB;
	_ =	sdelay $0x1  }
0x131: {  	v21 =	vor.u32 v12, v21;
	s28 =	sadd.s32 $0xFFFFFFFC, s1  }
0x132: {  	v59 =	vmov s28;
	[tilespmem:v23+s11+$0x0] =	vst.idx.msk $0xffff, v22  }
0x133: {  	v60 =	vshll.u32 v59, $0x3;
	_ =	swait.ge [sflag:s22], $0x800  }
0x134: {  	v22 =	vand.u32 $0x7B, v59;
	v23 =	vand.u32 $0xC00, v60;
	[sflag:s22] =	ssyncset.done $0x0  }
0x135: {  	v22 =	vor.u32 v23, v22;
	[sflag:s22] =	ssyncadd.s32 $0xFFFFF800  }
0x136: {  	v22 =	vor.u32 v1, v22;
	v21 =	vld.idx.msk [tilespmem:v21+s9+$0x0], $0xffff;
	_ =	sdelay $0x1  }
0x137: {  	v20 =	vbroadcast v17, $0xC;
	_ =	sdelay $0x1  }
0x138: {  	v20 =	vor.u32 v13, v20;
	s29 =	sadd.s32 $0xFFFFFFFD, s1  }
0x139: {  	v61 =	vmov s29;
	[tilespmem:v22+s11+$0x0] =	vst.idx.msk $0xffff, v21  }
0x13a: {  	v62 =	vshll.u32 v61, $0x3;
	_ =	swait.ge [sflag:s23], $0x800  }
0x13b: {  	v21 =	vand.u32 $0x7C, v61;
	v22 =	vand.u32 $0xC00, v62;
	[sflag:s23] =	ssyncset.done $0x0  }
0x13c: {  	v21 =	vor.u32 v22, v21;
	[sflag:s23] =	ssyncadd.s32 $0xFFFFF800  }
0x13d: {  	v21 =	vor.u32 v1, v21;
	v20 =	vld.idx.msk [tilespmem:v20+s9+$0x0], $0xffff;
	_ =	sdelay $0x1  }
0x13e: {  	v19 =	vbroadcast v17, $0xD;
	_ =	sdelay $0x1  }
0x13f: {  	v19 =	vor.u32 v14, v19;
	s28 =	sadd.s32 $0xFFFFFFFE, s1  }
0x140: {  	[tilespmem:v21+s11+$0x0] =	vst.idx.msk $0xffff, v20;
	v20 =	vmov s28  }
0x141: {  	_ =	swait.ge [sflag:s24], $0x800;
	v63 =	vshll.u32 v20, $0x3  }
0x142: {  	v20 =	vand.u32 $0x7D, v20;
	[sflag:s24] =	ssyncset.done $0x0;
	v21 =	vand.u32 $0xC00, v63  }
0x143: {  	[sflag:s24] =	ssyncadd.s32 $0xFFFFF800;
	v20 =	vor.u32 v21, v20  }
0x144: {  	v19 =	vld.idx.msk [tilespmem:v19+s9+$0x0], $0xffff;
	v20 =	vor.u32 v1, v20;
	_ =	sdelay $0x1  }
0x145: {  	v18 =	vbroadcast v17, $0xE;
	_ =	sdelay $0x1  }
0x146: {  	v18 =	vor.u32 v15, v18;
	s29 =	sadd.s32 $0xFFFFFFFF, s1  }
0x147: {  	[tilespmem:v20+s11+$0x0] =	vst.idx.msk $0xffff, v19;
	v19 =	vmov s29  }
0x148: {  	_ =	swait.ge [sflag:s25], $0x800;
	v20 =	vshll.u32 v19, $0x3  }
0x149: {  	v19 =	vand.u32 $0x7E, v19;
	[sflag:s25] =	ssyncset.done $0x0;
	v20 =	vand.u32 $0xC00, v20  }
0x14a: {  	[sflag:s25] =	ssyncadd.s32 $0xFFFFF800;
	v19 =	vor.u32 v20, v19  }
0x14b: {  	v18 =	vld.idx.msk [tilespmem:v18+s9+$0x0], $0xffff;
	v19 =	vor.u32 v1, v19;
	_ =	sdelay $0x1  }
0x14c: {  	v17 =	vbroadcast v17, $0xF;
	_ =	sdelay $0x1  }
0x14d: {  	p0 =	sne.s32 s31, $0x1FF;
	v17 =	vor.u32 v16, v17  }
.Ltmp0:
0x14e: {  	[tilespmem:v19+s11+$0x0] =	vst.idx.msk $0xffff, v18;
	v18 =	vmov s1;
	(pc) =	sbr.rel @p0 .LBB2_2-.Ltmp0, $4  }
0x14f: {  	_ =	swait.ge [sflag:s26], $0x800;
	v19 =	vshll.u32 v18, $0x3  }
0x150: {  	v18 =	vand.u32 $0x7F, v18;
	[sflag:s26] =	ssyncset.done $0x0;
	v19 =	vand.u32 $0xC00, v19  }
0x151: {  	[sflag:s26] =	ssyncadd.s32 $0xFFFFF800;
	v18 =	vor.u32 v19, v18  }
0x152: {  	s31 =	sadd.s32 $0x10, s31;
	v17 =	vld.idx.msk [tilespmem:v17+s9+$0x0], $0xffff;
	v18 =	vor.u32 v1, v18  }
0x153: {  	_ =	sdelay $0x1  }
0x154: {  	s30 =	sadd.s32 $0x1, s30  }
0x155: {  	p0 =	sne.s32 s30, s5  }
.Ltmp1:
0x156: {  	s0 =	simm.s32 $0x1000;
	s1 =	simm.s32 $0x20000;
	[tilespmem:v18+s11+$0x0] =	vst.idx.msk $0xffff, v17;
	(pc) =	sbr.rel @p0 .LBB2_1-.Ltmp1, $4  }
0x157: {  	[hbm4b:s4+s0] =	stream.strided.scatter [tilespmem:s11], [sflag:$0x11], $0x2000, s1, s0, $0x38;
	[tilespmem:$0xA200] =	vst v63  }
0x158: {  	_ =	swait.ge [sflag:s6], $0x2000  }
0x159: {  	[sflag:s6] =	ssyncset.done $0x0  }
0x15a: {  	[sflag:s6] =	ssyncadd.s32 $0xFFFFE000  }
0x15b: {  	_ =	sfence.sel $0x180000  }
0x15c: {  	[bflag:$0x0] =	sbarrier.arrive $0xFFFF  }
0x15d: {  	_ =	strace $0x90000047  }
0x15e: {  	s0 =	stileid.u32;
	[bflag:$0x2] =	sbarrier.arrive $0xFFFF  }
0x15f: {  	p0 =	sne.s32 s0, $0x0;
	s0 =	rddreg [dreg:$0x3]  }
0x160: {  	s0 =	sadd.s32 @!p0 $0x100000, s0  }
0x161: {  	[sflag:s0] =	ssyncadd.tile.s32 @!p0 $0x1;
	_ =	shalt  }
.Lfunc_end2:
_tile_overlayer_lowered:
.L_overlay_start_2:
0x162: {  	(tag) =	ssettag $0x2  }
0x163: {  	s0 =	rddreg [dreg:$0x0];
	s2 =	stileid.u32  }
0x164: {  	s1 =	rddreg [dreg:$0x1];
	p0 =	sne.s32 s2, $0x0  }
0x165: {  	s3 =	rddreg [dreg:$0x2];
	[bflag:$0x3] =	sbarrier.arrive $0xFFFF;
	s2 =	simm.s32 @!p0 $0x1C11  }
0x166: {  	[timem:s3], [sflag:s2] =	dma.local @!p0 [hbm:s0], s1  }
0x167: {  	s0 =	simm.s32 @!p0 $0x11  }
0x168: {  	_ =	swait.ge @!p0 [sflag:s0], s1  }
0x169: {  	s1 =	ssub.s32 @!p0 $0x0, s1;
	[sflag:s0] =	ssyncset.done @!p0 $0x0  }
0x16a: {  	[sflag:s0] =	ssyncadd.s32 @!p0 s1  }
0x16b: {  	[bflag:$0x3] =	sbarrier.arrive $0xFFFF  }
0x16c: {  	_ =	shalt  }

</sc_bundles>
